<compile_context>
chip_gen: v7x
topology: tpu7x:2x2x1
jax: 0.10.2.dev20260603
libtpu: 0.0.44.dev20260713+nightly
codegen_flags: <defaults>
</compile_context>

<pallas_src>
import functools

import jax
import jax.numpy as jnp
from jax import lax
from jax.experimental import pallas as pl
from jax.experimental.pallas import tpu as pltpu
from jax.experimental.pallas import tpu_sc as plsc

_ROWLEN = 2048
_LANES = 16
_NCHUNK = _ROWLEN // _LANES
_NROWS = 4 * 8192
_NW = 32
_ROWS_PER_W = _NROWS // _NW
_BLK = 16
_NBLK = _ROWS_PER_W // _BLK

_mesh = plsc.VectorSubcoreMesh(core_axis_name="c", subcore_axis_name="s")


def _sort_a(v):
    return plsc.sort_key_val(v, v, descending=False)[0]


def _sort_d(v):
    return plsc.sort_key_val(v, v, descending=True)[0]


@functools.partial(
    pl.kernel,
    mesh=_mesh,
    out_type=jax.ShapeDtypeStruct((_NROWS,), jnp.float32),
    scratch_types=[
        pltpu.VMEM((_BLK, _ROWLEN), jnp.float32),
        pltpu.VMEM((_BLK, _ROWLEN), jnp.float32),
        pltpu.VMEM((_ROWS_PER_W + _LANES,), jnp.float32),
        pltpu.SemaphoreType.DMA,
        pltpu.SemaphoreType.DMA,
    ],
    compiler_params=pltpu.CompilerParams(needs_layout_passes=False),
)
def _topk_mean(x_hbm, o_hbm, buf0, buf1, out_v, sem0, sem1):
    cid = lax.axis_index("c")
    sid = lax.axis_index("s")
    wid = sid * 2 + cid
    base = wid * _ROWS_PER_W
    lane_iota = lax.iota(jnp.int32, _LANES)
    bufs = (buf0, buf1)
    sems = (sem0, sem1)

    def start(blk, par):
        pltpu.async_copy(
            x_hbm.at[pl.ds(base + blk * _BLK, _BLK)], bufs[par], sems[par]
        )

    def wait(par):
        pltpu.make_async_copy(
            x_hbm.at[pl.ds(base, _BLK)], bufs[par], sems[par]
        ).wait()

    def compute(blk, par):
        buf = bufs[par]
        accs = tuple(_sort_a(buf[r, pl.ds(0, _LANES)]) for r in range(_BLK))

        def chunk_body(ci, accs):
            off = ci * _LANES
            return tuple(
                _sort_a(
                    jnp.maximum(accs[r], _sort_d(buf[r, pl.ds(off, _LANES)]))
                )
                for r in range(_BLK)
            )

        accs = lax.fori_loop(1, _NCHUNK, chunk_body, accs)

        last = lane_iota == (_LANES - 1)
        for r in range(_BLK):
            cs = plsc.cumsum(accs[r]) * (1.0 / _LANES)
            plsc.store_compressed(
                out_v.at[pl.ds(blk * _BLK + r, _LANES)], cs, mask=last
            )

    start(0, 0)

    def pair_body(i, carry):
        blk0 = 2 * i
        wait(0)
        start(blk0 + 1, 1)
        compute(blk0, 0)
        wait(1)

        @pl.when(i < _NBLK // 2 - 1)
        def _():
            start(blk0 + 2, 0)

        compute(blk0 + 1, 1)
        return carry

    lax.fori_loop(0, _NBLK // 2, pair_body, 0)
    pltpu.sync_copy(
        out_v.at[pl.ds(0, _ROWS_PER_W)], o_hbm.at[pl.ds(base, _ROWS_PER_W)]
    )


def kernel(x):
    b, s, d = x.shape
    out = _topk_mean(x.reshape(b * s, d))
    return out.reshape(b, s)

# --- scband reference (transcript-rebuilt; emitter-appended) ---
"""Pipeline reference for scband-top-kpool-10617159156024 (READ-ONLY COPY).

The authoritative reference and input builder live on the scoring server;
editing this copy changes nothing except your own understanding.
"""

import jax, jax.numpy as jnp
import numpy as np

K = 16

def setup_inputs(seed: int = 0) -> dict:
    key = jax.random.key(seed)
    x = jax.random.normal(key, (4, 8192, 2048), dtype=jnp.float32)
    return {"x": x}

def reference(x):
    # TopKPool: topk over last dim, keep values, mean over the k values
    vals, _ = jax.lax.top_k(x, K)
    return vals.mean(axis=-1)

if __name__ == "__main__":
    import jax
    _d = setup_inputs()
    print(jax.jit(kernel)(*tuple(_d.values())))

</pallas_src>

<mosaic_0001>
#map = affine_map<(d0, d1) -> (0, 0)>
#map1 = affine_map<(d0, d1) -> (0)>
module attributes {stable_mosaic.version = 14 : i64} {
  func.func @_topk_mean(%arg0: i32, %arg1: i32, %arg2: memref<32768x2048xf32, #tpu.memory_space<hbm>>, %arg3: memref<32768xf32, #tpu.memory_space<hbm>>, %arg4: memref<16x2048xf32, #tpu.memory_space<vmem>>, %arg5: memref<16x2048xf32, #tpu.memory_space<vmem>>, %arg6: memref<1040xf32, #tpu.memory_space<vmem>>, %arg7: memref<!tpu.dma_semaphore, #tpu.memory_space<semaphore_mem>>, %arg8: memref<!tpu.dma_semaphore, #tpu.memory_space<semaphore_mem>>) attributes {dimension_semantics = [#tpu.dimension_semantics<core_parallel>, #tpu.dimension_semantics<subcore_parallel>], iteration_bounds = array<i64: 2, 16>, scalar_prefetch = 0 : i64, scratch_operands = 5 : i64, tpu.core_type = #tpu.core_type<sc_vector_subcore>, window_params = [{transform_indices = #map}, {transform_indices = #map1}]} {
    %mul3A = arith.constant 2 : i32
    %mul3A_0 = arith.muli %arg1, %mul3A : i32
    %add3A = arith.addi %mul3A_0, %arg0 : i32
    %mul3A_1 = arith.constant 1024 : i32
    %mul3A_2 = arith.muli %add3A, %mul3A_1 : i32
    %iota3A = tpu.iota {dimensions = array<i32: 0>} : vector<16xi32>
    %add3A_3 = arith.constant 0 : i32
    %add3A_4 = arith.addi %mul3A_2, %add3A_3 : i32
    %dma_start3A = arith.constant 0 : i32
    %dma_start3A_5 = tpu.memref_slice %arg2[%add3A_4, %dma_start3A] : memref<32768x2048xf32, #tpu.memory_space<hbm>> -> memref<16x2048xf32, #tpu.memory_space<hbm>>
    %dma_start3A_6 = arith.constant 0 : i32
    %dma_start3A_7 = tpu.memref_slice %arg2[%add3A_4, %dma_start3A_6] : memref<32768x2048xf32, #tpu.memory_space<hbm>> -> memref<16x2048xf32, #tpu.memory_space<hbm>>
    tpu.enqueue_dma source(%dma_start3A_7 : memref<16x2048xf32, #tpu.memory_space<hbm>>) target(%arg4 : memref<16x2048xf32, #tpu.memory_space<vmem>>) target_semaphore(%arg7 : memref<!tpu.dma_semaphore, #tpu.memory_space<semaphore_mem>>)
    %scan3A = arith.constant 0 : i32
    %scan3A_8 = arith.constant 0 : i32
    %scan3A_9 = arith.constant 32 : i32
    %scan3A_10 = arith.addi %scan3A_8, %scan3A_9 : i32
    %scan3A_11 = arith.constant 1 : i32
    scf.for %scan3A_13 = %scan3A_8 to %scan3A_10 step %scan3A_11  : i32 {
      %mul3A_14 = arith.constant 2 : i32
      %mul3A_15 = arith.muli %mul3A_14, %scan3A_13 : i32
      %dma_wait3A = arith.constant 0 : i32
      %dma_wait3A_16 = tpu.memref_slice %arg2[%mul3A_2, %dma_wait3A] : memref<32768x2048xf32, #tpu.memory_space<hbm>> -> memref<16x2048xf32, #tpu.memory_space<hbm>>
      %dma_wait3A_17 = arith.constant 0 : i32
      %dma_wait3A_18 = tpu.memref_slice %arg2[%mul3A_2, %dma_wait3A_17] : memref<32768x2048xf32, #tpu.memory_space<hbm>> -> memref<16x2048xf32, #tpu.memory_space<hbm>>
      tpu.wait_dma2 semaphore(%arg7 : memref<!tpu.dma_semaphore, #tpu.memory_space<semaphore_mem>>) src(%dma_wait3A_18 : memref<16x2048xf32, #tpu.memory_space<hbm>>) dst(%arg4 : memref<16x2048xf32, #tpu.memory_space<vmem>>)
      %add3A_19 = arith.constant 1 : i32
      %add3A_20 = arith.addi %mul3A_15, %add3A_19 : i32
      %mul3A_21 = arith.constant 16 : i32
      %mul3A_22 = arith.muli %add3A_20, %mul3A_21 : i32
      %add3A_23 = arith.addi %mul3A_2, %mul3A_22 : i32
      %dma_start3A_24 = arith.constant 0 : i32
      %dma_start3A_25 = tpu.memref_slice %arg2[%add3A_23, %dma_start3A_24] : memref<32768x2048xf32, #tpu.memory_space<hbm>> -> memref<16x2048xf32, #tpu.memory_space<hbm>>
      %dma_start3A_26 = arith.constant 0 : i32
      %dma_start3A_27 = tpu.memref_slice %arg2[%add3A_23, %dma_start3A_26] : memref<32768x2048xf32, #tpu.memory_space<hbm>> -> memref<16x2048xf32, #tpu.memory_space<hbm>>
      tpu.enqueue_dma source(%dma_start3A_27 : memref<16x2048xf32, #tpu.memory_space<hbm>>) target(%arg5 : memref<16x2048xf32, #tpu.memory_space<vmem>>) target_semaphore(%arg8 : memref<!tpu.dma_semaphore, #tpu.memory_space<semaphore_mem>>)
      %get3A = arith.constant 0 : i32
      %get3A_28 = arith.index_cast %get3A : i32 to index
      %get3A_29 = arith.constant 0 : index
      %get3A_30 = tpu.vector_load %arg4[%get3A_28, %get3A_29] {strides = array<i32>} : memref<16x2048xf32, #tpu.memory_space<vmem>>, vector<16xf32>,
      %masked_sort3A = arith.constant dense<true> : vector<16xi1>
      %masked_sort3A_31, %masked_sort3A_32, %masked_sort3A_33 = tpu.sort %get3A_30, %get3A_30 masked %masked_sort3A : (vector<16xf32>, vector<16xf32>, vector<16xi1>) -> (vector<16xi1>, vector<16xf32>, vector<16xf32>)
      %get3A_34 = arith.constant 1 : i32
      %get3A_35 = arith.index_cast %get3A_34 : i32 to index
      %get3A_36 = arith.constant 0 : index
      %get3A_37 = tpu.vector_load %arg4[%get3A_35, %get3A_36] {strides = array<i32>} : memref<16x2048xf32, #tpu.memory_space<vmem>>, vector<16xf32>,
      %masked_sort3A_38 = arith.constant dense<true> : vector<16xi1>
      %masked_sort3A_39, %masked_sort3A_40, %masked_sort3A_41 = tpu.sort %get3A_37, %get3A_37 masked %masked_sort3A_38 : (vector<16xf32>, vector<16xf32>, vector<16xi1>) -> (vector<16xi1>, vector<16xf32>, vector<16xf32>)
      %get3A_42 = arith.constant 2 : i32
      %get3A_43 = arith.index_cast %get3A_42 : i32 to index
      %get3A_44 = arith.constant 0 : index
      %get3A_45 = tpu.vector_load %arg4[%get3A_43, %get3A_44] {strides = array<i32>} : memref<16x2048xf32, #tpu.memory_space<vmem>>, vector<16xf32>,
      %masked_sort3A_46 = arith.constant dense<true> : vector<16xi1>
      %masked_sort3A_47, %masked_sort3A_48, %masked_sort3A_49 = tpu.sort %get3A_45, %get3A_45 masked %masked_sort3A_46 : (vector<16xf32>, vector<16xf32>, vector<16xi1>) -> (vector<16xi1>, vector<16xf32>, vector<16xf32>)
      %get3A_50 = arith.constant 3 : i32
      %get3A_51 = arith.index_cast %get3A_50 : i32 to index
      %get3A_52 = arith.constant 0 : index
      %get3A_53 = tpu.vector_load %arg4[%get3A_51, %get3A_52] {strides = array<i32>} : memref<16x2048xf32, #tpu.memory_space<vmem>>, vector<16xf32>,
      %masked_sort3A_54 = arith.constant dense<true> : vector<16xi1>
      %masked_sort3A_55, %masked_sort3A_56, %masked_sort3A_57 = tpu.sort %get3A_53, %get3A_53 masked %masked_sort3A_54 : (vector<16xf32>, vector<16xf32>, vector<16xi1>) -> (vector<16xi1>, vector<16xf32>, vector<16xf32>)
      %get3A_58 = arith.constant 4 : i32
      %get3A_59 = arith.index_cast %get3A_58 : i32 to index
      %get3A_60 = arith.constant 0 : index
      %get3A_61 = tpu.vector_load %arg4[%get3A_59, %get3A_60] {strides = array<i32>} : memref<16x2048xf32, #tpu.memory_space<vmem>>, vector<16xf32>,
      %masked_sort3A_62 = arith.constant dense<true> : vector<16xi1>
      %masked_sort3A_63, %masked_sort3A_64, %masked_sort3A_65 = tpu.sort %get3A_61, %get3A_61 masked %masked_sort3A_62 : (vector<16xf32>, vector<16xf32>, vector<16xi1>) -> (vector<16xi1>, vector<16xf32>, vector<16xf32>)
      %get3A_66 = arith.constant 5 : i32
      %get3A_67 = arith.index_cast %get3A_66 : i32 to index
      %get3A_68 = arith.constant 0 : index
      %get3A_69 = tpu.vector_load %arg4[%get3A_67, %get3A_68] {strides = array<i32>} : memref<16x2048xf32, #tpu.memory_space<vmem>>, vector<16xf32>,
      %masked_sort3A_70 = arith.constant dense<true> : vector<16xi1>
      %masked_sort3A_71, %masked_sort3A_72, %masked_sort3A_73 = tpu.sort %get3A_69, %get3A_69 masked %masked_sort3A_70 : (vector<16xf32>, vector<16xf32>, vector<16xi1>) -> (vector<16xi1>, vector<16xf32>, vector<16xf32>)
      %get3A_74 = arith.constant 6 : i32
      %get3A_75 = arith.index_cast %get3A_74 : i32 to index
      %get3A_76 = arith.constant 0 : index
      %get3A_77 = tpu.vector_load %arg4[%get3A_75, %get3A_76] {strides = array<i32>} : memref<16x2048xf32, #tpu.memory_space<vmem>>, vector<16xf32>,
      %masked_sort3A_78 = arith.constant dense<true> : vector<16xi1>
      %masked_sort3A_79, %masked_sort3A_80, %masked_sort3A_81 = tpu.sort %get3A_77, %get3A_77 masked %masked_sort3A_78 : (vector<16xf32>, vector<16xf32>, vector<16xi1>) -> (vector<16xi1>, vector<16xf32>, vector<16xf32>)
      %get3A_82 = arith.constant 7 : i32
      %get3A_83 = arith.index_cast %get3A_82 : i32 to index
      %get3A_84 = arith.constant 0 : index
      %get3A_85 = tpu.vector_load %arg4[%get3A_83, %get3A_84] {strides = array<i32>} : memref<16x2048xf32, #tpu.memory_space<vmem>>, vector<16xf32>,
      %masked_sort3A_86 = arith.constant dense<true> : vector<16xi1>
      %masked_sort3A_87, %masked_sort3A_88, %masked_sort3A_89 = tpu.sort %get3A_85, %get3A_85 masked %masked_sort3A_86 : (vector<16xf32>, vector<16xf32>, vector<16xi1>) -> (vector<16xi1>, vector<16xf32>, vector<16xf32>)
      %get3A_90 = arith.constant 8 : i32
      %get3A_91 = arith.index_cast %get3A_90 : i32 to index
      %get3A_92 = arith.constant 0 : index
      %get3A_93 = tpu.vector_load %arg4[%get3A_91, %get3A_92] {strides = array<i32>} : memref<16x2048xf32, #tpu.memory_space<vmem>>, vector<16xf32>,
      %masked_sort3A_94 = arith.constant dense<true> : vector<16xi1>
      %masked_sort3A_95, %masked_sort3A_96, %masked_sort3A_97 = tpu.sort %get3A_93, %get3A_93 masked %masked_sort3A_94 : (vector<16xf32>, vector<16xf32>, vector<16xi1>) -> (vector<16xi1>, vector<16xf32>, vector<16xf32>)
      %get3A_98 = arith.constant 9 : i32
      %get3A_99 = arith.index_cast %get3A_98 : i32 to index
      %get3A_100 = arith.constant 0 : index
      %get3A_101 = tpu.vector_load %arg4[%get3A_99, %get3A_100] {strides = array<i32>} : memref<16x2048xf32, #tpu.memory_space<vmem>>, vector<16xf32>,
      %masked_sort3A_102 = arith.constant dense<true> : vector<16xi1>
      %masked_sort3A_103, %masked_sort3A_104, %masked_sort3A_105 = tpu.sort %get3A_101, %get3A_101 masked %masked_sort3A_102 : (vector<16xf32>, vector<16xf32>, vector<16xi1>) -> (vector<16xi1>, vector<16xf32>, vector<16xf32>)
      %get3A_106 = arith.constant 10 : i32
      %get3A_107 = arith.index_cast %get3A_106 : i32 to index
      %get3A_108 = arith.constant 0 : index
      %get3A_109 = tpu.vector_load %arg4[%get3A_107, %get3A_108] {strides = array<i32>} : memref<16x2048xf32, #tpu.memory_space<vmem>>, vector<16xf32>,
      %masked_sort3A_110 = arith.constant dense<true> : vector<16xi1>
      %masked_sort3A_111, %masked_sort3A_112, %masked_sort3A_113 = tpu.sort %get3A_109, %get3A_109 masked %masked_sort3A_110 : (vector<16xf32>, vector<16xf32>, vector<16xi1>) -> (vector<16xi1>, vector<16xf32>, vector<16xf32>)
      %get3A_114 = arith.constant 11 : i32
      %get3A_115 = arith.index_cast %get3A_114 : i32 to index
      %get3A_116 = arith.constant 0 : index
      %get3A_117 = tpu.vector_load %arg4[%get3A_115, %get3A_116] {strides = array<i32>} : memref<16x2048xf32, #tpu.memory_space<vmem>>, vector<16xf32>,
      %masked_sort3A_118 = arith.constant dense<true> : vector<16xi1>
      %masked_sort3A_119, %masked_sort3A_120, %masked_sort3A_121 = tpu.sort %get3A_117, %get3A_117 masked %masked_sort3A_118 : (vector<16xf32>, vector<16xf32>, vector<16xi1>) -> (vector<16xi1>, vector<16xf32>, vector<16xf32>)
      %get3A_122 = arith.constant 12 : i32
      %get3A_123 = arith.index_cast %get3A_122 : i32 to index
      %get3A_124 = arith.constant 0 : index
      %get3A_125 = tpu.vector_load %arg4[%get3A_123, %get3A_124] {strides = array<i32>} : memref<16x2048xf32, #tpu.memory_space<vmem>>, vector<16xf32>,
      %masked_sort3A_126 = arith.constant dense<true> : vector<16xi1>
      %masked_sort3A_127, %masked_sort3A_128, %masked_sort3A_129 = tpu.sort %get3A_125, %get3A_125 masked %masked_sort3A_126 : (vector<16xf32>, vector<16xf32>, vector<16xi1>) -> (vector<16xi1>, vector<16xf32>, vector<16xf32>)
      %get3A_130 = arith.constant 13 : i32
      %get3A_131 = arith.index_cast %get3A_130 : i32 to index
      %get3A_132 = arith.constant 0 : index
      %get3A_133 = tpu.vector_load %arg4[%get3A_131, %get3A_132] {strides = array<i32>} : memref<16x2048xf32, #tpu.memory_space<vmem>>, vector<16xf32>,
      %masked_sort3A_134 = arith.constant dense<true> : vector<16xi1>
      %masked_sort3A_135, %masked_sort3A_136, %masked_sort3A_137 = tpu.sort %get3A_133, %get3A_133 masked %masked_sort3A_134 : (vector<16xf32>, vector<16xf32>, vector<16xi1>) -> (vector<16xi1>, vector<16xf32>, vector<16xf32>)
      %get3A_138 = arith.constant 14 : i32
      %get3A_139 = arith.index_cast %get3A_138 : i32 to index
      %get3A_140 = arith.constant 0 : index
      %get3A_141 = tpu.vector_load %arg4[%get3A_139, %get3A_140] {strides = array<i32>} : memref<16x2048xf32, #tpu.memory_space<vmem>>, vector<16xf32>,
      %masked_sort3A_142 = arith.constant dense<true> : vector<16xi1>
      %masked_sort3A_143, %masked_sort3A_144, %masked_sort3A_145 = tpu.sort %get3A_141, %get3A_141 masked %masked_sort3A_142 : (vector<16xf32>, vector<16xf32>, vector<16xi1>) -> (vector<16xi1>, vector<16xf32>, vector<16xf32>)
      %get3A_146 = arith.constant 15 : i32
      %get3A_147 = arith.index_cast %get3A_146 : i32 to index
      %get3A_148 = arith.constant 0 : index
      %get3A_149 = tpu.vector_load %arg4[%get3A_147, %get3A_148] {strides = array<i32>} : memref<16x2048xf32, #tpu.memory_space<vmem>>, vector<16xf32>,
      %masked_sort3A_150 = arith.constant dense<true> : vector<16xi1>
      %masked_sort3A_151, %masked_sort3A_152, %masked_sort3A_153 = tpu.sort %get3A_149, %get3A_149 masked %masked_sort3A_150 : (vector<16xf32>, vector<16xf32>, vector<16xi1>) -> (vector<16xi1>, vector<16xf32>, vector<16xf32>)
      %scan3A_154 = arith.constant 1 : i32
      %scan3A_155 = arith.constant 127 : i32
      %scan3A_156 = arith.addi %scan3A_154, %scan3A_155 : i32
      %scan3A_157 = arith.constant 1 : i32
      %scan3A_158:16 = scf.for %scan3A_688 = %scan3A_154 to %scan3A_156 step %scan3A_157 iter_args(%scan3A_689 = %masked_sort3A_32, %scan3A_690 = %masked_sort3A_40, %scan3A_691 = %masked_sort3A_48, %scan3A_692 = %masked_sort3A_56, %scan3A_693 = %masked_sort3A_64, %scan3A_694 = %masked_sort3A_72, %scan3A_695 = %masked_sort3A_80, %scan3A_696 = %masked_sort3A_88, %scan3A_697 = %masked_sort3A_96, %scan3A_698 = %masked_sort3A_104, %scan3A_699 = %masked_sort3A_112, %scan3A_700 = %masked_sort3A_120, %scan3A_701 = %masked_sort3A_128, %scan3A_702 = %masked_sort3A_136, %scan3A_703 = %masked_sort3A_144, %scan3A_704 = %masked_sort3A_152) -> (vector<16xf32>, vector<16xf32>, vector<16xf32>, vector<16xf32>, vector<16xf32>, vector<16xf32>, vector<16xf32>, vector<16xf32>, vector<16xf32>, vector<16xf32>, vector<16xf32>, vector<16xf32>, vector<16xf32>, vector<16xf32>, vector<16xf32>, vector<16xf32>)  : i32 {
        %mul3A_705 = arith.constant 16 : i32
        %mul3A_706 = arith.muli %scan3A_688, %mul3A_705 : i32
        %get3A_707 = arith.constant 0 : i32
        %get3A_708 = arith.index_cast %get3A_707 : i32 to index
        %get3A_709 = arith.index_cast %mul3A_706 : i32 to index
        %get3A_710 = tpu.vector_load %arg4[%get3A_708, %get3A_709] {strides = array<i32>} : memref<16x2048xf32, #tpu.memory_space<vmem>>, vector<16xf32>,
        %masked_sort3A_711 = arith.constant dense<true> : vector<16xi1>
        %masked_sort3A_712, %masked_sort3A_713, %masked_sort3A_714 = tpu.sort %get3A_710, %get3A_710 masked %masked_sort3A_711 {descending = true} : (vector<16xf32>, vector<16xf32>, vector<16xi1>) -> (vector<16xi1>, vector<16xf32>, vector<16xf32>)
        %max3A = arith.maximumf %scan3A_689, %masked_sort3A_713 : vector<16xf32>
        %masked_sort3A_715 = arith.constant dense<true> : vector<16xi1>
        %masked_sort3A_716, %masked_sort3A_717, %masked_sort3A_718 = tpu.sort %max3A, %max3A masked %masked_sort3A_715 : (vector<16xf32>, vector<16xf32>, vector<16xi1>) -> (vector<16xi1>, vector<16xf32>, vector<16xf32>)
        %get3A_719 = arith.constant 1 : i32
        %get3A_720 = arith.index_cast %get3A_719 : i32 to index
        %get3A_721 = arith.index_cast %mul3A_706 : i32 to index
        %get3A_722 = tpu.vector_load %arg4[%get3A_720, %get3A_721] {strides = array<i32>} : memref<16x2048xf32, #tpu.memory_space<vmem>>, vector<16xf32>,
        %masked_sort3A_723 = arith.constant dense<true> : vector<16xi1>
        %masked_sort3A_724, %masked_sort3A_725, %masked_sort3A_726 = tpu.sort %get3A_722, %get3A_722 masked %masked_sort3A_723 {descending = true} : (vector<16xf32>, vector<16xf32>, vector<16xi1>) -> (vector<16xi1>, vector<16xf32>, vector<16xf32>)
        %max3A_727 = arith.maximumf %scan3A_690, %masked_sort3A_725 : vector<16xf32>
        %masked_sort3A_728 = arith.constant dense<true> : vector<16xi1>
        %masked_sort3A_729, %masked_sort3A_730, %masked_sort3A_731 = tpu.sort %max3A_727, %max3A_727 masked %masked_sort3A_728 : (vector<16xf32>, vector<16xf32>, vector<16xi1>) -> (vector<16xi1>, vector<16xf32>, vector<16xf32>)
        %get3A_732 = arith.constant 2 : i32
        %get3A_733 = arith.index_cast %get3A_732 : i32 to index
        %get3A_734 = arith.index_cast %mul3A_706 : i32 to index
        %get3A_735 = tpu.vector_load %arg4[%get3A_733, %get3A_734] {strides = array<i32>} : memref<16x2048xf32, #tpu.memory_space<vmem>>, vector<16xf32>,
        %masked_sort3A_736 = arith.constant dense<true> : vector<16xi1>
        %masked_sort3A_737, %masked_sort3A_738, %masked_sort3A_739 = tpu.sort %get3A_735, %get3A_735 masked %masked_sort3A_736 {descending = true} : (vector<16xf32>, vector<16xf32>, vector<16xi1>) -> (vector<16xi1>, vector<16xf32>, vector<16xf32>)
        %max3A_740 = arith.maximumf %scan3A_691, %masked_sort3A_738 : vector<16xf32>
        %masked_sort3A_741 = arith.constant dense<true> : vector<16xi1>
        %masked_sort3A_742, %masked_sort3A_743, %masked_sort3A_744 = tpu.sort %max3A_740, %max3A_740 masked %masked_sort3A_741 : (vector<16xf32>, vector<16xf32>, vector<16xi1>) -> (vector<16xi1>, vector<16xf32>, vector<16xf32>)
        %get3A_745 = arith.constant 3 : i32
        %get3A_746 = arith.index_cast %get3A_745 : i32 to index
        %get3A_747 = arith.index_cast %mul3A_706 : i32 to index
        %get3A_748 = tpu.vector_load %arg4[%get3A_746, %get3A_747] {strides = array<i32>} : memref<16x2048xf32, #tpu.memory_space<vmem>>, vector<16xf32>,
        %masked_sort3A_749 = arith.constant dense<true> : vector<16xi1>
        %masked_sort3A_750, %masked_sort3A_751, %masked_sort3A_752 = tpu.sort %get3A_748, %get3A_748 masked %masked_sort3A_749 {descending = true} : (vector<16xf32>, vector<16xf32>, vector<16xi1>) -> (vector<16xi1>, vector<16xf32>, vector<16xf32>)
        %max3A_753 = arith.maximumf %scan3A_692, %masked_sort3A_751 : vector<16xf32>
        %masked_sort3A_754 = arith.constant dense<true> : vector<16xi1>
        %masked_sort3A_755, %masked_sort3A_756, %masked_sort3A_757 = tpu.sort %max3A_753, %max3A_753 masked %masked_sort3A_754 : (vector<16xf32>, vector<16xf32>, vector<16xi1>) -> (vector<16xi1>, vector<16xf32>, vector<16xf32>)
        %get3A_758 = arith.constant 4 : i32
        %get3A_759 = arith.index_cast %get3A_758 : i32 to index
        %get3A_760 = arith.index_cast %mul3A_706 : i32 to index
        %get3A_761 = tpu.vector_load %arg4[%get3A_759, %get3A_760] {strides = array<i32>} : memref<16x2048xf32, #tpu.memory_space<vmem>>, vector<16xf32>,
        %masked_sort3A_762 = arith.constant dense<true> : vector<16xi1>
        %masked_sort3A_763, %masked_sort3A_764, %masked_sort3A_765 = tpu.sort %get3A_761, %get3A_761 masked %masked_sort3A_762 {descending = true} : (vector<16xf32>, vector<16xf32>, vector<16xi1>) -> (vector<16xi1>, vector<16xf32>, vector<16xf32>)
        %max3A_766 = arith.maximumf %scan3A_693, %masked_sort3A_764 : vector<16xf32>
        %masked_sort3A_767 = arith.constant dense<true> : vector<16xi1>
        %masked_sort3A_768, %masked_sort3A_769, %masked_sort3A_770 = tpu.sort %max3A_766, %max3A_766 masked %masked_sort3A_767 : (vector<16xf32>, vector<16xf32>, vector<16xi1>) -> (vector<16xi1>, vector<16xf32>, vector<16xf32>)
        %get3A_771 = arith.constant 5 : i32
        %get3A_772 = arith.index_cast %get3A_771 : i32 to index
        %get3A_773 = arith.index_cast %mul3A_706 : i32 to index
        %get3A_774 = tpu.vector_load %arg4[%get3A_772, %get3A_773] {strides = array<i32>} : memref<16x2048xf32, #tpu.memory_space<vmem>>, vector<16xf32>,
        %masked_sort3A_775 = arith.constant dense<true> : vector<16xi1>
        %masked_sort3A_776, %masked_sort3A_777, %masked_sort3A_778 = tpu.sort %get3A_774, %get3A_774 masked %masked_sort3A_775 {descending = true} : (vector<16xf32>, vector<16xf32>, vector<16xi1>) -> (vector<16xi1>, vector<16xf32>, vector<16xf32>)
        %max3A_779 = arith.maximumf %scan3A_694, %masked_sort3A_777 : vector<16xf32>
        %masked_sort3A_780 = arith.constant dense<true> : vector<16xi1>
        %masked_sort3A_781, %masked_sort3A_782, %masked_sort3A_783 = tpu.sort %max3A_779, %max3A_779 masked %masked_sort3A_780 : (vector<16xf32>, vector<16xf32>, vector<16xi1>) -> (vector<16xi1>, vector<16xf32>, vector<16xf32>)
        %get3A_784 = arith.constant 6 : i32
        %get3A_785 = arith.index_cast %get3A_784 : i32 to index
        %get3A_786 = arith.index_cast %mul3A_706 : i32 to index
        %get3A_787 = tpu.vector_load %arg4[%get3A_785, %get3A_786] {strides = array<i32>} : memref<16x2048xf32, #tpu.memory_space<vmem>>, vector<16xf32>,
        %masked_sort3A_788 = arith.constant dense<true> : vector<16xi1>
        %masked_sort3A_789, %masked_sort3A_790, %masked_sort3A_791 = tpu.sort %get3A_787, %get3A_787 masked %masked_sort3A_788 {descending = true} : (vector<16xf32>, vector<16xf32>, vector<16xi1>) -> (vector<16xi1>, vector<16xf32>, vector<16xf32>)
        %max3A_792 = arith.maximumf %scan3A_695, %masked_sort3A_790 : vector<16xf32>
        %masked_sort3A_793 = arith.constant dense<true> : vector<16xi1>
        %masked_sort3A_794, %masked_sort3A_795, %masked_sort3A_796 = tpu.sort %max3A_792, %max3A_792 masked %masked_sort3A_793 : (vector<16xf32>, vector<16xf32>, vector<16xi1>) -> (vector<16xi1>, vector<16xf32>, vector<16xf32>)
        %get3A_797 = arith.constant 7 : i32
        %get3A_798 = arith.index_cast %get3A_797 : i32 to index
        %get3A_799 = arith.index_cast %mul3A_706 : i32 to index
        %get3A_800 = tpu.vector_load %arg4[%get3A_798, %get3A_799] {strides = array<i32>} : memref<16x2048xf32, #tpu.memory_space<vmem>>, vector<16xf32>,
        %masked_sort3A_801 = arith.constant dense<true> : vector<16xi1>
        %masked_sort3A_802, %masked_sort3A_803, %masked_sort3A_804 = tpu.sort %get3A_800, %get3A_800 masked %masked_sort3A_801 {descending = true} : (vector<16xf32>, vector<16xf32>, vector<16xi1>) -> (vector<16xi1>, vector<16xf32>, vector<16xf32>)
        %max3A_805 = arith.maximumf %scan3A_696, %masked_sort3A_803 : vector<16xf32>
        %masked_sort3A_806 = arith.constant dense<true> : vector<16xi1>
        %masked_sort3A_807, %masked_sort3A_808, %masked_sort3A_809 = tpu.sort %max3A_805, %max3A_805 masked %masked_sort3A_806 : (vector<16xf32>, vector<16xf32>, vector<16xi1>) -> (vector<16xi1>, vector<16xf32>, vector<16xf32>)
        %get3A_810 = arith.constant 8 : i32
        %get3A_811 = arith.index_cast %get3A_810 : i32 to index
        %get3A_812 = arith.index_cast %mul3A_706 : i32 to index
        %get3A_813 = tpu.vector_load %arg4[%get3A_811, %get3A_812] {strides = array<i32>} : memref<16x2048xf32, #tpu.memory_space<vmem>>, vector<16xf32>,
        %masked_sort3A_814 = arith.constant dense<true> : vector<16xi1>
        %masked_sort3A_815, %masked_sort3A_816, %masked_sort3A_817 = tpu.sort %get3A_813, %get3A_813 masked %masked_sort3A_814 {descending = true} : (vector<16xf32>, vector<16xf32>, vector<16xi1>) -> (vector<16xi1>, vector<16xf32>, vector<16xf32>)
        %max3A_818 = arith.maximumf %scan3A_697, %masked_sort3A_816 : vector<16xf32>
        %masked_sort3A_819 = arith.constant dense<true> : vector<16xi1>
        %masked_sort3A_820, %masked_sort3A_821, %masked_sort3A_822 = tpu.sort %max3A_818, %max3A_818 masked %masked_sort3A_819 : (vector<16xf32>, vector<16xf32>, vector<16xi1>) -> (vector<16xi1>, vector<16xf32>, vector<16xf32>)
        %get3A_823 = arith.constant 9 : i32
        %get3A_824 = arith.index_cast %get3A_823 : i32 to index
        %get3A_825 = arith.index_cast %mul3A_706 : i32 to index
        %get3A_826 = tpu.vector_load %arg4[%get3A_824, %get3A_825] {strides = array<i32>} : memref<16x2048xf32, #tpu.memory_space<vmem>>, vector<16xf32>,
        %masked_sort3A_827 = arith.constant dense<true> : vector<16xi1>
        %masked_sort3A_828, %masked_sort3A_829, %masked_sort3A_830 = tpu.sort %get3A_826, %get3A_826 masked %masked_sort3A_827 {descending = true} : (vector<16xf32>, vector<16xf32>, vector<16xi1>) -> (vector<16xi1>, vector<16xf32>, vector<16xf32>)
        %max3A_831 = arith.maximumf %scan3A_698, %masked_sort3A_829 : vector<16xf32>
        %masked_sort3A_832 = arith.constant dense<true> : vector<16xi1>
        %masked_sort3A_833, %masked_sort3A_834, %masked_sort3A_835 = tpu.sort %max3A_831, %max3A_831 masked %masked_sort3A_832 : (vector<16xf32>, vector<16xf32>, vector<16xi1>) -> (vector<16xi1>, vector<16xf32>, vector<16xf32>)
        %get3A_836 = arith.constant 10 : i32
        %get3A_837 = arith.index_cast %get3A_836 : i32 to index
        %get3A_838 = arith.index_cast %mul3A_706 : i32 to index
        %get3A_839 = tpu.vector_load %arg4[%get3A_837, %get3A_838] {strides = array<i32>} : memref<16x2048xf32, #tpu.memory_space<vmem>>, vector<16xf32>,
        %masked_sort3A_840 = arith.constant dense<true> : vector<16xi1>
        %masked_sort3A_841, %masked_sort3A_842, %masked_sort3A_843 = tpu.sort %get3A_839, %get3A_839 masked %masked_sort3A_840 {descending = true} : (vector<16xf32>, vector<16xf32>, vector<16xi1>) -> (vector<16xi1>, vector<16xf32>, vector<16xf32>)
        %max3A_844 = arith.maximumf %scan3A_699, %masked_sort3A_842 : vector<16xf32>
        %masked_sort3A_845 = arith.constant dense<true> : vector<16xi1>
        %masked_sort3A_846, %masked_sort3A_847, %masked_sort3A_848 = tpu.sort %max3A_844, %max3A_844 masked %masked_sort3A_845 : (vector<16xf32>, vector<16xf32>, vector<16xi1>) -> (vector<16xi1>, vector<16xf32>, vector<16xf32>)
        %get3A_849 = arith.constant 11 : i32
        %get3A_850 = arith.index_cast %get3A_849 : i32 to index
        %get3A_851 = arith.index_cast %mul3A_706 : i32 to index
        %get3A_852 = tpu.vector_load %arg4[%get3A_850, %get3A_851] {strides = array<i32>} : memref<16x2048xf32, #tpu.memory_space<vmem>>, vector<16xf32>,
        %masked_sort3A_853 = arith.constant dense<true> : vector<16xi1>
        %masked_sort3A_854, %masked_sort3A_855, %masked_sort3A_856 = tpu.sort %get3A_852, %get3A_852 masked %masked_sort3A_853 {descending = true} : (vector<16xf32>, vector<16xf32>, vector<16xi1>) -> (vector<16xi1>, vector<16xf32>, vector<16xf32>)
        %max3A_857 = arith.maximumf %scan3A_700, %masked_sort3A_855 : vector<16xf32>
        %masked_sort3A_858 = arith.constant dense<true> : vector<16xi1>
        %masked_sort3A_859, %masked_sort3A_860, %masked_sort3A_861 = tpu.sort %max3A_857, %max3A_857 masked %masked_sort3A_858 : (vector<16xf32>, vector<16xf32>, vector<16xi1>) -> (vector<16xi1>, vector<16xf32>, vector<16xf32>)
        %get3A_862 = arith.constant 12 : i32
        %get3A_863 = arith.index_cast %get3A_862 : i32 to index
        %get3A_864 = arith.index_cast %mul3A_706 : i32 to index
        %get3A_865 = tpu.vector_load %arg4[%get3A_863, %get3A_864] {strides = array<i32>} : memref<16x2048xf32, #tpu.memory_space<vmem>>, vector<16xf32>,
        %masked_sort3A_866 = arith.constant dense<true> : vector<16xi1>
        %masked_sort3A_867, %masked_sort3A_868, %masked_sort3A_869 = tpu.sort %get3A_865, %get3A_865 masked %masked_sort3A_866 {descending = true} : (vector<16xf32>, vector<16xf32>, vector<16xi1>) -> (vector<16xi1>, vector<16xf32>, vector<16xf32>)
        %max3A_870 = arith.maximumf %scan3A_701, %masked_sort3A_868 : vector<16xf32>
        %masked_sort3A_871 = arith.constant dense<true> : vector<16xi1>
        %masked_sort3A_872, %masked_sort3A_873, %masked_sort3A_874 = tpu.sort %max3A_870, %max3A_870 masked %masked_sort3A_871 : (vector<16xf32>, vector<16xf32>, vector<16xi1>) -> (vector<16xi1>, vector<16xf32>, vector<16xf32>)
        %get3A_875 = arith.constant 13 : i32
        %get3A_876 = arith.index_cast %get3A_875 : i32 to index
        %get3A_877 = arith.index_cast %mul3A_706 : i32 to index
        %get3A_878 = tpu.vector_load %arg4[%get3A_876, %get3A_877] {strides = array<i32>} : memref<16x2048xf32, #tpu.memory_space<vmem>>, vector<16xf32>,
        %masked_sort3A_879 = arith.constant dense<true> : vector<16xi1>
        %masked_sort3A_880, %masked_sort3A_881, %masked_sort3A_882 = tpu.sort %get3A_878, %get3A_878 masked %masked_sort3A_879 {descending = true} : (vector<16xf32>, vector<16xf32>, vector<16xi1>) -> (vector<16xi1>, vector<16xf32>, vector<16xf32>)
        %max3A_883 = arith.maximumf %scan3A_702, %masked_sort3A_881 : vector<16xf32>
        %masked_sort3A_884 = arith.constant dense<true> : vector<16xi1>
        %masked_sort3A_885, %masked_sort3A_886, %masked_sort3A_887 = tpu.sort %max3A_883, %max3A_883 masked %masked_sort3A_884 : (vector<16xf32>, vector<16xf32>, vector<16xi1>) -> (vector<16xi1>, vector<16xf32>, vector<16xf32>)
        %get3A_888 = arith.constant 14 : i32
        %get3A_889 = arith.index_cast %get3A_888 : i32 to index
        %get3A_890 = arith.index_cast %mul3A_706 : i32 to index
        %get3A_891 = tpu.vector_load %arg4[%get3A_889, %get3A_890] {strides = array<i32>} : memref<16x2048xf32, #tpu.memory_space<vmem>>, vector<16xf32>,
        %masked_sort3A_892 = arith.constant dense<true> : vector<16xi1>
        %masked_sort3A_893, %masked_sort3A_894, %masked_sort3A_895 = tpu.sort %get3A_891, %get3A_891 masked %masked_sort3A_892 {descending = true} : (vector<16xf32>, vector<16xf32>, vector<16xi1>) -> (vector<16xi1>, vector<16xf32>, vector<16xf32>)
        %max3A_896 = arith.maximumf %scan3A_703, %masked_sort3A_894 : vector<16xf32>
        %masked_sort3A_897 = arith.constant dense<true> : vector<16xi1>
        %masked_sort3A_898, %masked_sort3A_899, %masked_sort3A_900 = tpu.sort %max3A_896, %max3A_896 masked %masked_sort3A_897 : (vector<16xf32>, vector<16xf32>, vector<16xi1>) -> (vector<16xi1>, vector<16xf32>, vector<16xf32>)
        %get3A_901 = arith.constant 15 : i32
        %get3A_902 = arith.index_cast %get3A_901 : i32 to index
        %get3A_903 = arith.index_cast %mul3A_706 : i32 to index
        %get3A_904 = tpu.vector_load %arg4[%get3A_902, %get3A_903] {strides = array<i32>} : memref<16x2048xf32, #tpu.memory_space<vmem>>, vector<16xf32>,
        %masked_sort3A_905 = arith.constant dense<true> : vector<16xi1>
        %masked_sort3A_906, %masked_sort3A_907, %masked_sort3A_908 = tpu.sort %get3A_904, %get3A_904 masked %masked_sort3A_905 {descending = true} : (vector<16xf32>, vector<16xf32>, vector<16xi1>) -> (vector<16xi1>, vector<16xf32>, vector<16xf32>)
        %max3A_909 = arith.maximumf %scan3A_704, %masked_sort3A_907 : vector<16xf32>
        %masked_sort3A_910 = arith.constant dense<true> : vector<16xi1>
        %masked_sort3A_911, %masked_sort3A_912, %masked_sort3A_913 = tpu.sort %max3A_909, %max3A_909 masked %masked_sort3A_910 : (vector<16xf32>, vector<16xf32>, vector<16xi1>) -> (vector<16xi1>, vector<16xf32>, vector<16xf32>)
        scf.yield %masked_sort3A_717, %masked_sort3A_730, %masked_sort3A_743, %masked_sort3A_756, %masked_sort3A_769, %masked_sort3A_782, %masked_sort3A_795, %masked_sort3A_808, %masked_sort3A_821, %masked_sort3A_834, %masked_sort3A_847, %masked_sort3A_860, %masked_sort3A_873, %masked_sort3A_886, %masked_sort3A_899, %masked_sort3A_912 : vector<16xf32>, vector<16xf32>, vector<16xf32>, vector<16xf32>, vector<16xf32>, vector<16xf32>, vector<16xf32>, vector<16xf32>, vector<16xf32>, vector<16xf32>, vector<16xf32>, vector<16xf32>, vector<16xf32>, vector<16xf32>, vector<16xf32>, vector<16xf32>
      }
      %scan3A_159 = arith.constant 127 : i32
      %eq3A = arith.constant 15 : i32
      %eq3A_160 = vector.broadcast %eq3A : i32 to vector<16xi32>
      %eq3A_161 = arith.cmpi eq, %iota3A, %eq3A_160 : vector<16xi32>
      %broadcast_in_dim3A = arith.constant true
      %broadcast_in_dim3A_162 = vector.broadcast %broadcast_in_dim3A : i1 to vector<16xi1>
      %masked_cumsum3A = tpu.scan <sum>, %scan3A_158#0 masked %broadcast_in_dim3A_162 : vector<16xf32>, vector<16xi1> -> vector<16xf32>
      %mul3A_163 = arith.constant 6.250000e-02 : f32
      %mul3A_164 = vector.broadcast %mul3A_163 : f32 to vector<16xf32>
      %mul3A_165 = arith.mulf %masked_cumsum3A, %mul3A_164 : vector<16xf32>
      %mul3A_166 = arith.constant 16 : i32
      %mul3A_167 = arith.muli %mul3A_15, %mul3A_166 : i32
      %add3A_168 = arith.constant 0 : i32
      %add3A_169 = arith.addi %mul3A_167, %add3A_168 : i32
      %swap3A = arith.index_cast %add3A_169 : i32 to index
      %swap3A_170 = tpu.vector_load %arg6[%swap3A] masked %eq3A_161 {strides = array<i32>} : memref<1040xf32, #tpu.memory_space<vmem>>, vector<16xf32>, vector<16xi1>
      tpu.vector_store %arg6[%swap3A], %mul3A_165 masked %eq3A_161 {strides = array<i32>} : memref<1040xf32, #tpu.memory_space<vmem>>, vector<16xf32>, vector<16xi1>
      %broadcast_in_dim3A_171 = arith.constant true
      %broadcast_in_dim3A_172 = vector.broadcast %broadcast_in_dim3A_171 : i1 to vector<16xi1>
      %masked_cumsum3A_173 = tpu.scan <sum>, %scan3A_158#1 masked %broadcast_in_dim3A_172 : vector<16xf32>, vector<16xi1> -> vector<16xf32>
      %mul3A_174 = arith.constant 6.250000e-02 : f32
      %mul3A_175 = vector.broadcast %mul3A_174 : f32 to vector<16xf32>
      %mul3A_176 = arith.mulf %masked_cumsum3A_173, %mul3A_175 : vector<16xf32>
      %mul3A_177 = arith.constant 16 : i32
      %mul3A_178 = arith.muli %mul3A_15, %mul3A_177 : i32
      %add3A_179 = arith.constant 1 : i32
      %add3A_180 = arith.addi %mul3A_178, %add3A_179 : i32
      %swap3A_181 = arith.index_cast %add3A_180 : i32 to index
      %swap3A_182 = tpu.vector_load %arg6[%swap3A_181] masked %eq3A_161 {strides = array<i32>} : memref<1040xf32, #tpu.memory_space<vmem>>, vector<16xf32>, vector<16xi1>
      tpu.vector_store %arg6[%swap3A_181], %mul3A_176 masked %eq3A_161 {strides = array<i32>} : memref<1040xf32, #tpu.memory_space<vmem>>, vector<16xf32>, vector<16xi1>
      %broadcast_in_dim3A_183 = arith.constant true
      %broadcast_in_dim3A_184 = vector.broadcast %broadcast_in_dim3A_183 : i1 to vector<16xi1>
      %masked_cumsum3A_185 = tpu.scan <sum>, %scan3A_158#2 masked %broadcast_in_dim3A_184 : vector<16xf32>, vector<16xi1> -> vector<16xf32>
      %mul3A_186 = arith.constant 6.250000e-02 : f32
      %mul3A_187 = vector.broadcast %mul3A_186 : f32 to vector<16xf32>
      %mul3A_188 = arith.mulf %masked_cumsum3A_185, %mul3A_187 : vector<16xf32>
      %mul3A_189 = arith.constant 16 : i32
      %mul3A_190 = arith.muli %mul3A_15, %mul3A_189 : i32
      %add3A_191 = arith.constant 2 : i32
      %add3A_192 = arith.addi %mul3A_190, %add3A_191 : i32
      %swap3A_193 = arith.index_cast %add3A_192 : i32 to index
      %swap3A_194 = tpu.vector_load %arg6[%swap3A_193] masked %eq3A_161 {strides = array<i32>} : memref<1040xf32, #tpu.memory_space<vmem>>, vector<16xf32>, vector<16xi1>
      tpu.vector_store %arg6[%swap3A_193], %mul3A_188 masked %eq3A_161 {strides = array<i32>} : memref<1040xf32, #tpu.memory_space<vmem>>, vector<16xf32>, vector<16xi1>
      %broadcast_in_dim3A_195 = arith.constant true
      %broadcast_in_dim3A_196 = vector.broadcast %broadcast_in_dim3A_195 : i1 to vector<16xi1>
      %masked_cumsum3A_197 = tpu.scan <sum>, %scan3A_158#3 masked %broadcast_in_dim3A_196 : vector<16xf32>, vector<16xi1> -> vector<16xf32>
      %mul3A_198 = arith.constant 6.250000e-02 : f32
      %mul3A_199 = vector.broadcast %mul3A_198 : f32 to vector<16xf32>
      %mul3A_200 = arith.mulf %masked_cumsum3A_197, %mul3A_199 : vector<16xf32>
      %mul3A_201 = arith.constant 16 : i32
      %mul3A_202 = arith.muli %mul3A_15, %mul3A_201 : i32
      %add3A_203 = arith.constant 3 : i32
      %add3A_204 = arith.addi %mul3A_202, %add3A_203 : i32
      %swap3A_205 = arith.index_cast %add3A_204 : i32 to index
      %swap3A_206 = tpu.vector_load %arg6[%swap3A_205] masked %eq3A_161 {strides = array<i32>} : memref<1040xf32, #tpu.memory_space<vmem>>, vector<16xf32>, vector<16xi1>
      tpu.vector_store %arg6[%swap3A_205], %mul3A_200 masked %eq3A_161 {strides = array<i32>} : memref<1040xf32, #tpu.memory_space<vmem>>, vector<16xf32>, vector<16xi1>
      %broadcast_in_dim3A_207 = arith.constant true
      %broadcast_in_dim3A_208 = vector.broadcast %broadcast_in_dim3A_207 : i1 to vector<16xi1>
      %masked_cumsum3A_209 = tpu.scan <sum>, %scan3A_158#4 masked %broadcast_in_dim3A_208 : vector<16xf32>, vector<16xi1> -> vector<16xf32>
      %mul3A_210 = arith.constant 6.250000e-02 : f32
      %mul3A_211 = vector.broadcast %mul3A_210 : f32 to vector<16xf32>
      %mul3A_212 = arith.mulf %masked_cumsum3A_209, %mul3A_211 : vector<16xf32>
      %mul3A_213 = arith.constant 16 : i32
      %mul3A_214 = arith.muli %mul3A_15, %mul3A_213 : i32
      %add3A_215 = arith.constant 4 : i32
      %add3A_216 = arith.addi %mul3A_214, %add3A_215 : i32
      %swap3A_217 = arith.index_cast %add3A_216 : i32 to index
      %swap3A_218 = tpu.vector_load %arg6[%swap3A_217] masked %eq3A_161 {strides = array<i32>} : memref<1040xf32, #tpu.memory_space<vmem>>, vector<16xf32>, vector<16xi1>
      tpu.vector_store %arg6[%swap3A_217], %mul3A_212 masked %eq3A_161 {strides = array<i32>} : memref<1040xf32, #tpu.memory_space<vmem>>, vector<16xf32>, vector<16xi1>
      %broadcast_in_dim3A_219 = arith.constant true
      %broadcast_in_dim3A_220 = vector.broadcast %broadcast_in_dim3A_219 : i1 to vector<16xi1>
      %masked_cumsum3A_221 = tpu.scan <sum>, %scan3A_158#5 masked %broadcast_in_dim3A_220 : vector<16xf32>, vector<16xi1> -> vector<16xf32>
      %mul3A_222 = arith.constant 6.250000e-02 : f32
      %mul3A_223 = vector.broadcast %mul3A_222 : f32 to vector<16xf32>
      %mul3A_224 = arith.mulf %masked_cumsum3A_221, %mul3A_223 : vector<16xf32>
      %mul3A_225 = arith.constant 16 : i32
      %mul3A_226 = arith.muli %mul3A_15, %mul3A_225 : i32
      %add3A_227 = arith.constant 5 : i32
      %add3A_228 = arith.addi %mul3A_226, %add3A_227 : i32
      %swap3A_229 = arith.index_cast %add3A_228 : i32 to index
      %swap3A_230 = tpu.vector_load %arg6[%swap3A_229] masked %eq3A_161 {strides = array<i32>} : memref<1040xf32, #tpu.memory_space<vmem>>, vector<16xf32>, vector<16xi1>
      tpu.vector_store %arg6[%swap3A_229], %mul3A_224 masked %eq3A_161 {strides = array<i32>} : memref<1040xf32, #tpu.memory_space<vmem>>, vector<16xf32>, vector<16xi1>
      %broadcast_in_dim3A_231 = arith.constant true
      %broadcast_in_dim3A_232 = vector.broadcast %broadcast_in_dim3A_231 : i1 to vector<16xi1>
      %masked_cumsum3A_233 = tpu.scan <sum>, %scan3A_158#6 masked %broadcast_in_dim3A_232 : vector<16xf32>, vector<16xi1> -> vector<16xf32>
      %mul3A_234 = arith.constant 6.250000e-02 : f32
      %mul3A_235 = vector.broadcast %mul3A_234 : f32 to vector<16xf32>
      %mul3A_236 = arith.mulf %masked_cumsum3A_233, %mul3A_235 : vector<16xf32>
      %mul3A_237 = arith.constant 16 : i32
      %mul3A_238 = arith.muli %mul3A_15, %mul3A_237 : i32
      %add3A_239 = arith.constant 6 : i32
      %add3A_240 = arith.addi %mul3A_238, %add3A_239 : i32
      %swap3A_241 = arith.index_cast %add3A_240 : i32 to index
      %swap3A_242 = tpu.vector_load %arg6[%swap3A_241] masked %eq3A_161 {strides = array<i32>} : memref<1040xf32, #tpu.memory_space<vmem>>, vector<16xf32>, vector<16xi1>
      tpu.vector_store %arg6[%swap3A_241], %mul3A_236 masked %eq3A_161 {strides = array<i32>} : memref<1040xf32, #tpu.memory_space<vmem>>, vector<16xf32>, vector<16xi1>
      %broadcast_in_dim3A_243 = arith.constant true
      %broadcast_in_dim3A_244 = vector.broadcast %broadcast_in_dim3A_243 : i1 to vector<16xi1>
      %masked_cumsum3A_245 = tpu.scan <sum>, %scan3A_158#7 masked %broadcast_in_dim3A_244 : vector<16xf32>, vector<16xi1> -> vector<16xf32>
      %mul3A_246 = arith.constant 6.250000e-02 : f32
      %mul3A_247 = vector.broadcast %mul3A_246 : f32 to vector<16xf32>
      %mul3A_248 = arith.mulf %masked_cumsum3A_245, %mul3A_247 : vector<16xf32>
      %mul3A_249 = arith.constant 16 : i32
      %mul3A_250 = arith.muli %mul3A_15, %mul3A_249 : i32
      %add3A_251 = arith.constant 7 : i32
      %add3A_252 = arith.addi %mul3A_250, %add3A_251 : i32
      %swap3A_253 = arith.index_cast %add3A_252 : i32 to index
      %swap3A_254 = tpu.vector_load %arg6[%swap3A_253] masked %eq3A_161 {strides = array<i32>} : memref<1040xf32, #tpu.memory_space<vmem>>, vector<16xf32>, vector<16xi1>
      tpu.vector_store %arg6[%swap3A_253], %mul3A_248 masked %eq3A_161 {strides = array<i32>} : memref<1040xf32, #tpu.memory_space<vmem>>, vector<16xf32>, vector<16xi1>
      %broadcast_in_dim3A_255 = arith.constant true
      %broadcast_in_dim3A_256 = vector.broadcast %broadcast_in_dim3A_255 : i1 to vector<16xi1>
      %masked_cumsum3A_257 = tpu.scan <sum>, %scan3A_158#8 masked %broadcast_in_dim3A_256 : vector<16xf32>, vector<16xi1> -> vector<16xf32>
      %mul3A_258 = arith.constant 6.250000e-02 : f32
      %mul3A_259 = vector.broadcast %mul3A_258 : f32 to vector<16xf32>
      %mul3A_260 = arith.mulf %masked_cumsum3A_257, %mul3A_259 : vector<16xf32>
      %mul3A_261 = arith.constant 16 : i32
      %mul3A_262 = arith.muli %mul3A_15, %mul3A_261 : i32
      %add3A_263 = arith.constant 8 : i32
      %add3A_264 = arith.addi %mul3A_262, %add3A_263 : i32
      %swap3A_265 = arith.index_cast %add3A_264 : i32 to index
      %swap3A_266 = tpu.vector_load %arg6[%swap3A_265] masked %eq3A_161 {strides = array<i32>} : memref<1040xf32, #tpu.memory_space<vmem>>, vector<16xf32>, vector<16xi1>
      tpu.vector_store %arg6[%swap3A_265], %mul3A_260 masked %eq3A_161 {strides = array<i32>} : memref<1040xf32, #tpu.memory_space<vmem>>, vector<16xf32>, vector<16xi1>
      %broadcast_in_dim3A_267 = arith.constant true
      %broadcast_in_dim3A_268 = vector.broadcast %broadcast_in_dim3A_267 : i1 to vector<16xi1>
      %masked_cumsum3A_269 = tpu.scan <sum>, %scan3A_158#9 masked %broadcast_in_dim3A_268 : vector<16xf32>, vector<16xi1> -> vector<16xf32>
      %mul3A_270 = arith.constant 6.250000e-02 : f32
      %mul3A_271 = vector.broadcast %mul3A_270 : f32 to vector<16xf32>
      %mul3A_272 = arith.mulf %masked_cumsum3A_269, %mul3A_271 : vector<16xf32>
      %mul3A_273 = arith.constant 16 : i32
      %mul3A_274 = arith.muli %mul3A_15, %mul3A_273 : i32
      %add3A_275 = arith.constant 9 : i32
      %add3A_276 = arith.addi %mul3A_274, %add3A_275 : i32
      %swap3A_277 = arith.index_cast %add3A_276 : i32 to index
      %swap3A_278 = tpu.vector_load %arg6[%swap3A_277] masked %eq3A_161 {strides = array<i32>} : memref<1040xf32, #tpu.memory_space<vmem>>, vector<16xf32>, vector<16xi1>
      tpu.vector_store %arg6[%swap3A_277], %mul3A_272 masked %eq3A_161 {strides = array<i32>} : memref<1040xf32, #tpu.memory_space<vmem>>, vector<16xf32>, vector<16xi1>
      %broadcast_in_dim3A_279 = arith.constant true
      %broadcast_in_dim3A_280 = vector.broadcast %broadcast_in_dim3A_279 : i1 to vector<16xi1>
      %masked_cumsum3A_281 = tpu.scan <sum>, %scan3A_158#10 masked %broadcast_in_dim3A_280 : vector<16xf32>, vector<16xi1> -> vector<16xf32>
      %mul3A_282 = arith.constant 6.250000e-02 : f32
      %mul3A_283 = vector.broadcast %mul3A_282 : f32 to vector<16xf32>
      %mul3A_284 = arith.mulf %masked_cumsum3A_281, %mul3A_283 : vector<16xf32>
      %mul3A_285 = arith.constant 16 : i32
      %mul3A_286 = arith.muli %mul3A_15, %mul3A_285 : i32
      %add3A_287 = arith.constant 10 : i32
      %add3A_288 = arith.addi %mul3A_286, %add3A_287 : i32
      %swap3A_289 = arith.index_cast %add3A_288 : i32 to index
      %swap3A_290 = tpu.vector_load %arg6[%swap3A_289] masked %eq3A_161 {strides = array<i32>} : memref<1040xf32, #tpu.memory_space<vmem>>, vector<16xf32>, vector<16xi1>
      tpu.vector_store %arg6[%swap3A_289], %mul3A_284 masked %eq3A_161 {strides = array<i32>} : memref<1040xf32, #tpu.memory_space<vmem>>, vector<16xf32>, vector<16xi1>
      %broadcast_in_dim3A_291 = arith.constant true
      %broadcast_in_dim3A_292 = vector.broadcast %broadcast_in_dim3A_291 : i1 to vector<16xi1>
      %masked_cumsum3A_293 = tpu.scan <sum>, %scan3A_158#11 masked %broadcast_in_dim3A_292 : vector<16xf32>, vector<16xi1> -> vector<16xf32>
      %mul3A_294 = arith.constant 6.250000e-02 : f32
      %mul3A_295 = vector.broadcast %mul3A_294 : f32 to vector<16xf32>
      %mul3A_296 = arith.mulf %masked_cumsum3A_293, %mul3A_295 : vector<16xf32>
      %mul3A_297 = arith.constant 16 : i32
      %mul3A_298 = arith.muli %mul3A_15, %mul3A_297 : i32
      %add3A_299 = arith.constant 11 : i32
      %add3A_300 = arith.addi %mul3A_298, %add3A_299 : i32
      %swap3A_301 = arith.index_cast %add3A_300 : i32 to index
      %swap3A_302 = tpu.vector_load %arg6[%swap3A_301] masked %eq3A_161 {strides = array<i32>} : memref<1040xf32, #tpu.memory_space<vmem>>, vector<16xf32>, vector<16xi1>
      tpu.vector_store %arg6[%swap3A_301], %mul3A_296 masked %eq3A_161 {strides = array<i32>} : memref<1040xf32, #tpu.memory_space<vmem>>, vector<16xf32>, vector<16xi1>
      %broadcast_in_dim3A_303 = arith.constant true
      %broadcast_in_dim3A_304 = vector.broadcast %broadcast_in_dim3A_303 : i1 to vector<16xi1>
      %masked_cumsum3A_305 = tpu.scan <sum>, %scan3A_158#12 masked %broadcast_in_dim3A_304 : vector<16xf32>, vector<16xi1> -> vector<16xf32>
      %mul3A_306 = arith.constant 6.250000e-02 : f32
      %mul3A_307 = vector.broadcast %mul3A_306 : f32 to vector<16xf32>
      %mul3A_308 = arith.mulf %masked_cumsum3A_305, %mul3A_307 : vector<16xf32>
      %mul3A_309 = arith.constant 16 : i32
      %mul3A_310 = arith.muli %mul3A_15, %mul3A_309 : i32
      %add3A_311 = arith.constant 12 : i32
      %add3A_312 = arith.addi %mul3A_310, %add3A_311 : i32
      %swap3A_313 = arith.index_cast %add3A_312 : i32 to index
      %swap3A_314 = tpu.vector_load %arg6[%swap3A_313] masked %eq3A_161 {strides = array<i32>} : memref<1040xf32, #tpu.memory_space<vmem>>, vector<16xf32>, vector<16xi1>
      tpu.vector_store %arg6[%swap3A_313], %mul3A_308 masked %eq3A_161 {strides = array<i32>} : memref<1040xf32, #tpu.memory_space<vmem>>, vector<16xf32>, vector<16xi1>
      %broadcast_in_dim3A_315 = arith.constant true
      %broadcast_in_dim3A_316 = vector.broadcast %broadcast_in_dim3A_315 : i1 to vector<16xi1>
      %masked_cumsum3A_317 = tpu.scan <sum>, %scan3A_158#13 masked %broadcast_in_dim3A_316 : vector<16xf32>, vector<16xi1> -> vector<16xf32>
      %mul3A_318 = arith.constant 6.250000e-02 : f32
      %mul3A_319 = vector.broadcast %mul3A_318 : f32 to vector<16xf32>
      %mul3A_320 = arith.mulf %masked_cumsum3A_317, %mul3A_319 : vector<16xf32>
      %mul3A_321 = arith.constant 16 : i32
      %mul3A_322 = arith.muli %mul3A_15, %mul3A_321 : i32
      %add3A_323 = arith.constant 13 : i32
      %add3A_324 = arith.addi %mul3A_322, %add3A_323 : i32
      %swap3A_325 = arith.index_cast %add3A_324 : i32 to index
      %swap3A_326 = tpu.vector_load %arg6[%swap3A_325] masked %eq3A_161 {strides = array<i32>} : memref<1040xf32, #tpu.memory_space<vmem>>, vector<16xf32>, vector<16xi1>
      tpu.vector_store %arg6[%swap3A_325], %mul3A_320 masked %eq3A_161 {strides = array<i32>} : memref<1040xf32, #tpu.memory_space<vmem>>, vector<16xf32>, vector<16xi1>
      %broadcast_in_dim3A_327 = arith.constant true
      %broadcast_in_dim3A_328 = vector.broadcast %broadcast_in_dim3A_327 : i1 to vector<16xi1>
      %masked_cumsum3A_329 = tpu.scan <sum>, %scan3A_158#14 masked %broadcast_in_dim3A_328 : vector<16xf32>, vector<16xi1> -> vector<16xf32>
      %mul3A_330 = arith.constant 6.250000e-02 : f32
      %mul3A_331 = vector.broadcast %mul3A_330 : f32 to vector<16xf32>
      %mul3A_332 = arith.mulf %masked_cumsum3A_329, %mul3A_331 : vector<16xf32>
      %mul3A_333 = arith.constant 16 : i32
      %mul3A_334 = arith.muli %mul3A_15, %mul3A_333 : i32
      %add3A_335 = arith.constant 14 : i32
      %add3A_336 = arith.addi %mul3A_334, %add3A_335 : i32
      %swap3A_337 = arith.index_cast %add3A_336 : i32 to index
      %swap3A_338 = tpu.vector_load %arg6[%swap3A_337] masked %eq3A_161 {strides = array<i32>} : memref<1040xf32, #tpu.memory_space<vmem>>, vector<16xf32>, vector<16xi1>
      tpu.vector_store %arg6[%swap3A_337], %mul3A_332 masked %eq3A_161 {strides = array<i32>} : memref<1040xf32, #tpu.memory_space<vmem>>, vector<16xf32>, vector<16xi1>
      %broadcast_in_dim3A_339 = arith.constant true
      %broadcast_in_dim3A_340 = vector.broadcast %broadcast_in_dim3A_339 : i1 to vector<16xi1>
      %masked_cumsum3A_341 = tpu.scan <sum>, %scan3A_158#15 masked %broadcast_in_dim3A_340 : vector<16xf32>, vector<16xi1> -> vector<16xf32>
      %mul3A_342 = arith.constant 6.250000e-02 : f32
      %mul3A_343 = vector.broadcast %mul3A_342 : f32 to vector<16xf32>
      %mul3A_344 = arith.mulf %masked_cumsum3A_341, %mul3A_343 : vector<16xf32>
      %mul3A_345 = arith.constant 16 : i32
      %mul3A_346 = arith.muli %mul3A_15, %mul3A_345 : i32
      %add3A_347 = arith.constant 15 : i32
      %add3A_348 = arith.addi %mul3A_346, %add3A_347 : i32
      %swap3A_349 = arith.index_cast %add3A_348 : i32 to index
      %swap3A_350 = tpu.vector_load %arg6[%swap3A_349] masked %eq3A_161 {strides = array<i32>} : memref<1040xf32, #tpu.memory_space<vmem>>, vector<16xf32>, vector<16xi1>
      tpu.vector_store %arg6[%swap3A_349], %mul3A_344 masked %eq3A_161 {strides = array<i32>} : memref<1040xf32, #tpu.memory_space<vmem>>, vector<16xf32>, vector<16xi1>
      %dma_wait3A_351 = arith.constant 0 : i32
      %dma_wait3A_352 = tpu.memref_slice %arg2[%mul3A_2, %dma_wait3A_351] : memref<32768x2048xf32, #tpu.memory_space<hbm>> -> memref<16x2048xf32, #tpu.memory_space<hbm>>
      %dma_wait3A_353 = arith.constant 0 : i32
      %dma_wait3A_354 = tpu.memref_slice %arg2[%mul3A_2, %dma_wait3A_353] : memref<32768x2048xf32, #tpu.memory_space<hbm>> -> memref<16x2048xf32, #tpu.memory_space<hbm>>
      tpu.wait_dma2 semaphore(%arg8 : memref<!tpu.dma_semaphore, #tpu.memory_space<semaphore_mem>>) src(%dma_wait3A_354 : memref<16x2048xf32, #tpu.memory_space<hbm>>) dst(%arg5 : memref<16x2048xf32, #tpu.memory_space<vmem>>)
      %lt3A = arith.constant 31 : i32
      %lt3A_355 = arith.cmpi slt, %scan3A_13, %lt3A : i32
      %convert_element_type3A = arith.extui %lt3A_355 : i1 to i32
      %cond3A = arith.constant 0 : i32
      %cond3A_356 = arith.cmpi ne, %convert_element_type3A, %cond3A : i32
      scf.if %cond3A_356 {
        %add3A_688 = arith.constant 2 : i32
        %add3A_689 = arith.addi %mul3A_15, %add3A_688 : i32
        %mul3A_690 = arith.constant 16 : i32
        %mul3A_691 = arith.muli %add3A_689, %mul3A_690 : i32
        %add3A_692 = arith.addi %mul3A_2, %mul3A_691 : i32
        %dma_start3A_693 = arith.constant 0 : i32
        %dma_start3A_694 = tpu.memref_slice %arg2[%add3A_692, %dma_start3A_693] : memref<32768x2048xf32, #tpu.memory_space<hbm>> -> memref<16x2048xf32, #tpu.memory_space<hbm>>
        %dma_start3A_695 = arith.constant 0 : i32
        %dma_start3A_696 = tpu.memref_slice %arg2[%add3A_692, %dma_start3A_695] : memref<32768x2048xf32, #tpu.memory_space<hbm>> -> memref<16x2048xf32, #tpu.memory_space<hbm>>
        tpu.enqueue_dma source(%dma_start3A_696 : memref<16x2048xf32, #tpu.memory_space<hbm>>) target(%arg4 : memref<16x2048xf32, #tpu.memory_space<vmem>>) target_semaphore(%arg7 : memref<!tpu.dma_semaphore, #tpu.memory_space<semaphore_mem>>)
      } else {
      }
      %add3A_357 = arith.constant 1 : i32
      %add3A_358 = arith.addi %mul3A_15, %add3A_357 : i32
      %get3A_359 = arith.constant 0 : i32
      %get3A_360 = arith.index_cast %get3A_359 : i32 to index
      %get3A_361 = arith.constant 0 : index
      %get3A_362 = tpu.vector_load %arg5[%get3A_360, %get3A_361] {strides = array<i32>} : memref<16x2048xf32, #tpu.memory_space<vmem>>, vector<16xf32>,
      %masked_sort3A_363 = arith.constant dense<true> : vector<16xi1>
      %masked_sort3A_364, %masked_sort3A_365, %masked_sort3A_366 = tpu.sort %get3A_362, %get3A_362 masked %masked_sort3A_363 : (vector<16xf32>, vector<16xf32>, vector<16xi1>) -> (vector<16xi1>, vector<16xf32>, vector<16xf32>)
      %get3A_367 = arith.constant 1 : i32
      %get3A_368 = arith.index_cast %get3A_367 : i32 to index
      %get3A_369 = arith.constant 0 : index
      %get3A_370 = tpu.vector_load %arg5[%get3A_368, %get3A_369] {strides = array<i32>} : memref<16x2048xf32, #tpu.memory_space<vmem>>, vector<16xf32>,
      %masked_sort3A_371 = arith.constant dense<true> : vector<16xi1>
      %masked_sort3A_372, %masked_sort3A_373, %masked_sort3A_374 = tpu.sort %get3A_370, %get3A_370 masked %masked_sort3A_371 : (vector<16xf32>, vector<16xf32>, vector<16xi1>) -> (vector<16xi1>, vector<16xf32>, vector<16xf32>)
      %get3A_375 = arith.constant 2 : i32
      %get3A_376 = arith.index_cast %get3A_375 : i32 to index
      %get3A_377 = arith.constant 0 : index
      %get3A_378 = tpu.vector_load %arg5[%get3A_376, %get3A_377] {strides = array<i32>} : memref<16x2048xf32, #tpu.memory_space<vmem>>, vector<16xf32>,
      %masked_sort3A_379 = arith.constant dense<true> : vector<16xi1>
      %masked_sort3A_380, %masked_sort3A_381, %masked_sort3A_382 = tpu.sort %get3A_378, %get3A_378 masked %masked_sort3A_379 : (vector<16xf32>, vector<16xf32>, vector<16xi1>) -> (vector<16xi1>, vector<16xf32>, vector<16xf32>)
      %get3A_383 = arith.constant 3 : i32
      %get3A_384 = arith.index_cast %get3A_383 : i32 to index
      %get3A_385 = arith.constant 0 : index
      %get3A_386 = tpu.vector_load %arg5[%get3A_384, %get3A_385] {strides = array<i32>} : memref<16x2048xf32, #tpu.memory_space<vmem>>, vector<16xf32>,
      %masked_sort3A_387 = arith.constant dense<true> : vector<16xi1>
      %masked_sort3A_388, %masked_sort3A_389, %masked_sort3A_390 = tpu.sort %get3A_386, %get3A_386 masked %masked_sort3A_387 : (vector<16xf32>, vector<16xf32>, vector<16xi1>) -> (vector<16xi1>, vector<16xf32>, vector<16xf32>)
      %get3A_391 = arith.constant 4 : i32
      %get3A_392 = arith.index_cast %get3A_391 : i32 to index
      %get3A_393 = arith.constant 0 : index
      %get3A_394 = tpu.vector_load %arg5[%get3A_392, %get3A_393] {strides = array<i32>} : memref<16x2048xf32, #tpu.memory_space<vmem>>, vector<16xf32>,
      %masked_sort3A_395 = arith.constant dense<true> : vector<16xi1>
      %masked_sort3A_396, %masked_sort3A_397, %masked_sort3A_398 = tpu.sort %get3A_394, %get3A_394 masked %masked_sort3A_395 : (vector<16xf32>, vector<16xf32>, vector<16xi1>) -> (vector<16xi1>, vector<16xf32>, vector<16xf32>)
      %get3A_399 = arith.constant 5 : i32
      %get3A_400 = arith.index_cast %get3A_399 : i32 to index
      %get3A_401 = arith.constant 0 : index
      %get3A_402 = tpu.vector_load %arg5[%get3A_400, %get3A_401] {strides = array<i32>} : memref<16x2048xf32, #tpu.memory_space<vmem>>, vector<16xf32>,
      %masked_sort3A_403 = arith.constant dense<true> : vector<16xi1>
      %masked_sort3A_404, %masked_sort3A_405, %masked_sort3A_406 = tpu.sort %get3A_402, %get3A_402 masked %masked_sort3A_403 : (vector<16xf32>, vector<16xf32>, vector<16xi1>) -> (vector<16xi1>, vector<16xf32>, vector<16xf32>)
      %get3A_407 = arith.constant 6 : i32
      %get3A_408 = arith.index_cast %get3A_407 : i32 to index
      %get3A_409 = arith.constant 0 : index
      %get3A_410 = tpu.vector_load %arg5[%get3A_408, %get3A_409] {strides = array<i32>} : memref<16x2048xf32, #tpu.memory_space<vmem>>, vector<16xf32>,
      %masked_sort3A_411 = arith.constant dense<true> : vector<16xi1>
      %masked_sort3A_412, %masked_sort3A_413, %masked_sort3A_414 = tpu.sort %get3A_410, %get3A_410 masked %masked_sort3A_411 : (vector<16xf32>, vector<16xf32>, vector<16xi1>) -> (vector<16xi1>, vector<16xf32>, vector<16xf32>)
      %get3A_415 = arith.constant 7 : i32
      %get3A_416 = arith.index_cast %get3A_415 : i32 to index
      %get3A_417 = arith.constant 0 : index
      %get3A_418 = tpu.vector_load %arg5[%get3A_416, %get3A_417] {strides = array<i32>} : memref<16x2048xf32, #tpu.memory_space<vmem>>, vector<16xf32>,
      %masked_sort3A_419 = arith.constant dense<true> : vector<16xi1>
      %masked_sort3A_420, %masked_sort3A_421, %masked_sort3A_422 = tpu.sort %get3A_418, %get3A_418 masked %masked_sort3A_419 : (vector<16xf32>, vector<16xf32>, vector<16xi1>) -> (vector<16xi1>, vector<16xf32>, vector<16xf32>)
      %get3A_423 = arith.constant 8 : i32
      %get3A_424 = arith.index_cast %get3A_423 : i32 to index
      %get3A_425 = arith.constant 0 : index
      %get3A_426 = tpu.vector_load %arg5[%get3A_424, %get3A_425] {strides = array<i32>} : memref<16x2048xf32, #tpu.memory_space<vmem>>, vector<16xf32>,
      %masked_sort3A_427 = arith.constant dense<true> : vector<16xi1>
      %masked_sort3A_428, %masked_sort3A_429, %masked_sort3A_430 = tpu.sort %get3A_426, %get3A_426 masked %masked_sort3A_427 : (vector<16xf32>, vector<16xf32>, vector<16xi1>) -> (vector<16xi1>, vector<16xf32>, vector<16xf32>)
      %get3A_431 = arith.constant 9 : i32
      %get3A_432 = arith.index_cast %get3A_431 : i32 to index
      %get3A_433 = arith.constant 0 : index
      %get3A_434 = tpu.vector_load %arg5[%get3A_432, %get3A_433] {strides = array<i32>} : memref<16x2048xf32, #tpu.memory_space<vmem>>, vector<16xf32>,
      %masked_sort3A_435 = arith.constant dense<true> : vector<16xi1>
      %masked_sort3A_436, %masked_sort3A_437, %masked_sort3A_438 = tpu.sort %get3A_434, %get3A_434 masked %masked_sort3A_435 : (vector<16xf32>, vector<16xf32>, vector<16xi1>) -> (vector<16xi1>, vector<16xf32>, vector<16xf32>)
      %get3A_439 = arith.constant 10 : i32
      %get3A_440 = arith.index_cast %get3A_439 : i32 to index
      %get3A_441 = arith.constant 0 : index
      %get3A_442 = tpu.vector_load %arg5[%get3A_440, %get3A_441] {strides = array<i32>} : memref<16x2048xf32, #tpu.memory_space<vmem>>, vector<16xf32>,
      %masked_sort3A_443 = arith.constant dense<true> : vector<16xi1>
      %masked_sort3A_444, %masked_sort3A_445, %masked_sort3A_446 = tpu.sort %get3A_442, %get3A_442 masked %masked_sort3A_443 : (vector<16xf32>, vector<16xf32>, vector<16xi1>) -> (vector<16xi1>, vector<16xf32>, vector<16xf32>)
      %get3A_447 = arith.constant 11 : i32
      %get3A_448 = arith.index_cast %get3A_447 : i32 to index
      %get3A_449 = arith.constant 0 : index
      %get3A_450 = tpu.vector_load %arg5[%get3A_448, %get3A_449] {strides = array<i32>} : memref<16x2048xf32, #tpu.memory_space<vmem>>, vector<16xf32>,
      %masked_sort3A_451 = arith.constant dense<true> : vector<16xi1>
      %masked_sort3A_452, %masked_sort3A_453, %masked_sort3A_454 = tpu.sort %get3A_450, %get3A_450 masked %masked_sort3A_451 : (vector<16xf32>, vector<16xf32>, vector<16xi1>) -> (vector<16xi1>, vector<16xf32>, vector<16xf32>)
      %get3A_455 = arith.constant 12 : i32
      %get3A_456 = arith.index_cast %get3A_455 : i32 to index
      %get3A_457 = arith.constant 0 : index
      %get3A_458 = tpu.vector_load %arg5[%get3A_456, %get3A_457] {strides = array<i32>} : memref<16x2048xf32, #tpu.memory_space<vmem>>, vector<16xf32>,
      %masked_sort3A_459 = arith.constant dense<true> : vector<16xi1>
      %masked_sort3A_460, %masked_sort3A_461, %masked_sort3A_462 = tpu.sort %get3A_458, %get3A_458 masked %masked_sort3A_459 : (vector<16xf32>, vector<16xf32>, vector<16xi1>) -> (vector<16xi1>, vector<16xf32>, vector<16xf32>)
      %get3A_463 = arith.constant 13 : i32
      %get3A_464 = arith.index_cast %get3A_463 : i32 to index
      %get3A_465 = arith.constant 0 : index
      %get3A_466 = tpu.vector_load %arg5[%get3A_464, %get3A_465] {strides = array<i32>} : memref<16x2048xf32, #tpu.memory_space<vmem>>, vector<16xf32>,
      %masked_sort3A_467 = arith.constant dense<true> : vector<16xi1>
      %masked_sort3A_468, %masked_sort3A_469, %masked_sort3A_470 = tpu.sort %get3A_466, %get3A_466 masked %masked_sort3A_467 : (vector<16xf32>, vector<16xf32>, vector<16xi1>) -> (vector<16xi1>, vector<16xf32>, vector<16xf32>)
      %get3A_471 = arith.constant 14 : i32
      %get3A_472 = arith.index_cast %get3A_471 : i32 to index
      %get3A_473 = arith.constant 0 : index
      %get3A_474 = tpu.vector_load %arg5[%get3A_472, %get3A_473] {strides = array<i32>} : memref<16x2048xf32, #tpu.memory_space<vmem>>, vector<16xf32>,
      %masked_sort3A_475 = arith.constant dense<true> : vector<16xi1>
      %masked_sort3A_476, %masked_sort3A_477, %masked_sort3A_478 = tpu.sort %get3A_474, %get3A_474 masked %masked_sort3A_475 : (vector<16xf32>, vector<16xf32>, vector<16xi1>) -> (vector<16xi1>, vector<16xf32>, vector<16xf32>)
      %get3A_479 = arith.constant 15 : i32
      %get3A_480 = arith.index_cast %get3A_479 : i32 to index
      %get3A_481 = arith.constant 0 : index
      %get3A_482 = tpu.vector_load %arg5[%get3A_480, %get3A_481] {strides = array<i32>} : memref<16x2048xf32, #tpu.memory_space<vmem>>, vector<16xf32>,
      %masked_sort3A_483 = arith.constant dense<true> : vector<16xi1>
      %masked_sort3A_484, %masked_sort3A_485, %masked_sort3A_486 = tpu.sort %get3A_482, %get3A_482 masked %masked_sort3A_483 : (vector<16xf32>, vector<16xf32>, vector<16xi1>) -> (vector<16xi1>, vector<16xf32>, vector<16xf32>)
      %scan3A_487 = arith.constant 1 : i32
      %scan3A_488 = arith.constant 127 : i32
      %scan3A_489 = arith.addi %scan3A_487, %scan3A_488 : i32
      %scan3A_490 = arith.constant 1 : i32
      %scan3A_491:16 = scf.for %scan3A_688 = %scan3A_487 to %scan3A_489 step %scan3A_490 iter_args(%scan3A_689 = %masked_sort3A_365, %scan3A_690 = %masked_sort3A_373, %scan3A_691 = %masked_sort3A_381, %scan3A_692 = %masked_sort3A_389, %scan3A_693 = %masked_sort3A_397, %scan3A_694 = %masked_sort3A_405, %scan3A_695 = %masked_sort3A_413, %scan3A_696 = %masked_sort3A_421, %scan3A_697 = %masked_sort3A_429, %scan3A_698 = %masked_sort3A_437, %scan3A_699 = %masked_sort3A_445, %scan3A_700 = %masked_sort3A_453, %scan3A_701 = %masked_sort3A_461, %scan3A_702 = %masked_sort3A_469, %scan3A_703 = %masked_sort3A_477, %scan3A_704 = %masked_sort3A_485) -> (vector<16xf32>, vector<16xf32>, vector<16xf32>, vector<16xf32>, vector<16xf32>, vector<16xf32>, vector<16xf32>, vector<16xf32>, vector<16xf32>, vector<16xf32>, vector<16xf32>, vector<16xf32>, vector<16xf32>, vector<16xf32>, vector<16xf32>, vector<16xf32>)  : i32 {
        %mul3A_705 = arith.constant 16 : i32
        %mul3A_706 = arith.muli %scan3A_688, %mul3A_705 : i32
        %get3A_707 = arith.constant 0 : i32
        %get3A_708 = arith.index_cast %get3A_707 : i32 to index
        %get3A_709 = arith.index_cast %mul3A_706 : i32 to index
        %get3A_710 = tpu.vector_load %arg5[%get3A_708, %get3A_709] {strides = array<i32>} : memref<16x2048xf32, #tpu.memory_space<vmem>>, vector<16xf32>,
        %masked_sort3A_711 = arith.constant dense<true> : vector<16xi1>
        %masked_sort3A_712, %masked_sort3A_713, %masked_sort3A_714 = tpu.sort %get3A_710, %get3A_710 masked %masked_sort3A_711 {descending = true} : (vector<16xf32>, vector<16xf32>, vector<16xi1>) -> (vector<16xi1>, vector<16xf32>, vector<16xf32>)
        %max3A = arith.maximumf %scan3A_689, %masked_sort3A_713 : vector<16xf32>
        %masked_sort3A_715 = arith.constant dense<true> : vector<16xi1>
        %masked_sort3A_716, %masked_sort3A_717, %masked_sort3A_718 = tpu.sort %max3A, %max3A masked %masked_sort3A_715 : (vector<16xf32>, vector<16xf32>, vector<16xi1>) -> (vector<16xi1>, vector<16xf32>, vector<16xf32>)
        %get3A_719 = arith.constant 1 : i32
        %get3A_720 = arith.index_cast %get3A_719 : i32 to index
        %get3A_721 = arith.index_cast %mul3A_706 : i32 to index
        %get3A_722 = tpu.vector_load %arg5[%get3A_720, %get3A_721] {strides = array<i32>} : memref<16x2048xf32, #tpu.memory_space<vmem>>, vector<16xf32>,
        %masked_sort3A_723 = arith.constant dense<true> : vector<16xi1>
        %masked_sort3A_724, %masked_sort3A_725, %masked_sort3A_726 = tpu.sort %get3A_722, %get3A_722 masked %masked_sort3A_723 {descending = true} : (vector<16xf32>, vector<16xf32>, vector<16xi1>) -> (vector<16xi1>, vector<16xf32>, vector<16xf32>)
        %max3A_727 = arith.maximumf %scan3A_690, %masked_sort3A_725 : vector<16xf32>
        %masked_sort3A_728 = arith.constant dense<true> : vector<16xi1>
        %masked_sort3A_729, %masked_sort3A_730, %masked_sort3A_731 = tpu.sort %max3A_727, %max3A_727 masked %masked_sort3A_728 : (vector<16xf32>, vector<16xf32>, vector<16xi1>) -> (vector<16xi1>, vector<16xf32>, vector<16xf32>)
        %get3A_732 = arith.constant 2 : i32
        %get3A_733 = arith.index_cast %get3A_732 : i32 to index
        %get3A_734 = arith.index_cast %mul3A_706 : i32 to index
        %get3A_735 = tpu.vector_load %arg5[%get3A_733, %get3A_734] {strides = array<i32>} : memref<16x2048xf32, #tpu.memory_space<vmem>>, vector<16xf32>,
        %masked_sort3A_736 = arith.constant dense<true> : vector<16xi1>
        %masked_sort3A_737, %masked_sort3A_738, %masked_sort3A_739 = tpu.sort %get3A_735, %get3A_735 masked %masked_sort3A_736 {descending = true} : (vector<16xf32>, vector<16xf32>, vector<16xi1>) -> (vector<16xi1>, vector<16xf32>, vector<16xf32>)
        %max3A_740 = arith.maximumf %scan3A_691, %masked_sort3A_738 : vector<16xf32>
        %masked_sort3A_741 = arith.constant dense<true> : vector<16xi1>
        %masked_sort3A_742, %masked_sort3A_743, %masked_sort3A_744 = tpu.sort %max3A_740, %max3A_740 masked %masked_sort3A_741 : (vector<16xf32>, vector<16xf32>, vector<16xi1>) -> (vector<16xi1>, vector<16xf32>, vector<16xf32>)
        %get3A_745 = arith.constant 3 : i32
        %get3A_746 = arith.index_cast %get3A_745 : i32 to index
        %get3A_747 = arith.index_cast %mul3A_706 : i32 to index
        %get3A_748 = tpu.vector_load %arg5[%get3A_746, %get3A_747] {strides = array<i32>} : memref<16x2048xf32, #tpu.memory_space<vmem>>, vector<16xf32>,
        %masked_sort3A_749 = arith.constant dense<true> : vector<16xi1>
        %masked_sort3A_750, %masked_sort3A_751, %masked_sort3A_752 = tpu.sort %get3A_748, %get3A_748 masked %masked_sort3A_749 {descending = true} : (vector<16xf32>, vector<16xf32>, vector<16xi1>) -> (vector<16xi1>, vector<16xf32>, vector<16xf32>)
        %max3A_753 = arith.maximumf %scan3A_692, %masked_sort3A_751 : vector<16xf32>
        %masked_sort3A_754 = arith.constant dense<true> : vector<16xi1>
        %masked_sort3A_755, %masked_sort3A_756, %masked_sort3A_757 = tpu.sort %max3A_753, %max3A_753 masked %masked_sort3A_754 : (vector<16xf32>, vector<16xf32>, vector<16xi1>) -> (vector<16xi1>, vector<16xf32>, vector<16xf32>)
        %get3A_758 = arith.constant 4 : i32
        %get3A_759 = arith.index_cast %get3A_758 : i32 to index
        %get3A_760 = arith.index_cast %mul3A_706 : i32 to index
        %get3A_761 = tpu.vector_load %arg5[%get3A_759, %get3A_760] {strides = array<i32>} : memref<16x2048xf32, #tpu.memory_space<vmem>>, vector<16xf32>,
        %masked_sort3A_762 = arith.constant dense<true> : vector<16xi1>
        %masked_sort3A_763, %masked_sort3A_764, %masked_sort3A_765 = tpu.sort %get3A_761, %get3A_761 masked %masked_sort3A_762 {descending = true} : (vector<16xf32>, vector<16xf32>, vector<16xi1>) -> (vector<16xi1>, vector<16xf32>, vector<16xf32>)
        %max3A_766 = arith.maximumf %scan3A_693, %masked_sort3A_764 : vector<16xf32>
        %masked_sort3A_767 = arith.constant dense<true> : vector<16xi1>
        %masked_sort3A_768, %masked_sort3A_769, %masked_sort3A_770 = tpu.sort %max3A_766, %max3A_766 masked %masked_sort3A_767 : (vector<16xf32>, vector<16xf32>, vector<16xi1>) -> (vector<16xi1>, vector<16xf32>, vector<16xf32>)
        %get3A_771 = arith.constant 5 : i32
        %get3A_772 = arith.index_cast %get3A_771 : i32 to index
        %get3A_773 = arith.index_cast %mul3A_706 : i32 to index
        %get3A_774 = tpu.vector_load %arg5[%get3A_772, %get3A_773] {strides = array<i32>} : memref<16x2048xf32, #tpu.memory_space<vmem>>, vector<16xf32>,
        %masked_sort3A_775 = arith.constant dense<true> : vector<16xi1>
        %masked_sort3A_776, %masked_sort3A_777, %masked_sort3A_778 = tpu.sort %get3A_774, %get3A_774 masked %masked_sort3A_775 {descending = true} : (vector<16xf32>, vector<16xf32>, vector<16xi1>) -> (vector<16xi1>, vector<16xf32>, vector<16xf32>)
        %max3A_779 = arith.maximumf %scan3A_694, %masked_sort3A_777 : vector<16xf32>
        %masked_sort3A_780 = arith.constant dense<true> : vector<16xi1>
        %masked_sort3A_781, %masked_sort3A_782, %masked_sort3A_783 = tpu.sort %max3A_779, %max3A_779 masked %masked_sort3A_780 : (vector<16xf32>, vector<16xf32>, vector<16xi1>) -> (vector<16xi1>, vector<16xf32>, vector<16xf32>)
        %get3A_784 = arith.constant 6 : i32
        %get3A_785 = arith.index_cast %get3A_784 : i32 to index
        %get3A_786 = arith.index_cast %mul3A_706 : i32 to index
        %get3A_787 = tpu.vector_load %arg5[%get3A_785, %get3A_786] {strides = array<i32>} : memref<16x2048xf32, #tpu.memory_space<vmem>>, vector<16xf32>,
        %masked_sort3A_788 = arith.constant dense<true> : vector<16xi1>
        %masked_sort3A_789, %masked_sort3A_790, %masked_sort3A_791 = tpu.sort %get3A_787, %get3A_787 masked %masked_sort3A_788 {descending = true} : (vector<16xf32>, vector<16xf32>, vector<16xi1>) -> (vector<16xi1>, vector<16xf32>, vector<16xf32>)
        %max3A_792 = arith.maximumf %scan3A_695, %masked_sort3A_790 : vector<16xf32>
        %masked_sort3A_793 = arith.constant dense<true> : vector<16xi1>
        %masked_sort3A_794, %masked_sort3A_795, %masked_sort3A_796 = tpu.sort %max3A_792, %max3A_792 masked %masked_sort3A_793 : (vector<16xf32>, vector<16xf32>, vector<16xi1>) -> (vector<16xi1>, vector<16xf32>, vector<16xf32>)
        %get3A_797 = arith.constant 7 : i32
        %get3A_798 = arith.index_cast %get3A_797 : i32 to index
        %get3A_799 = arith.index_cast %mul3A_706 : i32 to index
        %get3A_800 = tpu.vector_load %arg5[%get3A_798, %get3A_799] {strides = array<i32>} : memref<16x2048xf32, #tpu.memory_space<vmem>>, vector<16xf32>,
        %masked_sort3A_801 = arith.constant dense<true> : vector<16xi1>
        %masked_sort3A_802, %masked_sort3A_803, %masked_sort3A_804 = tpu.sort %get3A_800, %get3A_800 masked %masked_sort3A_801 {descending = true} : (vector<16xf32>, vector<16xf32>, vector<16xi1>) -> (vector<16xi1>, vector<16xf32>, vector<16xf32>)
        %max3A_805 = arith.maximumf %scan3A_696, %masked_sort3A_803 : vector<16xf32>
        %masked_sort3A_806 = arith.constant dense<true> : vector<16xi1>
        %masked_sort3A_807, %masked_sort3A_808, %masked_sort3A_809 = tpu.sort %max3A_805, %max3A_805 masked %masked_sort3A_806 : (vector<16xf32>, vector<16xf32>, vector<16xi1>) -> (vector<16xi1>, vector<16xf32>, vector<16xf32>)
        %get3A_810 = arith.constant 8 : i32
        %get3A_811 = arith.index_cast %get3A_810 : i32 to index
        %get3A_812 = arith.index_cast %mul3A_706 : i32 to index
        %get3A_813 = tpu.vector_load %arg5[%get3A_811, %get3A_812] {strides = array<i32>} : memref<16x2048xf32, #tpu.memory_space<vmem>>, vector<16xf32>,
        %masked_sort3A_814 = arith.constant dense<true> : vector<16xi1>
        %masked_sort3A_815, %masked_sort3A_816, %masked_sort3A_817 = tpu.sort %get3A_813, %get3A_813 masked %masked_sort3A_814 {descending = true} : (vector<16xf32>, vector<16xf32>, vector<16xi1>) -> (vector<16xi1>, vector<16xf32>, vector<16xf32>)
        %max3A_818 = arith.maximumf %scan3A_697, %masked_sort3A_816 : vector<16xf32>
        %masked_sort3A_819 = arith.constant dense<true> : vector<16xi1>
        %masked_sort3A_820, %masked_sort3A_821, %masked_sort3A_822 = tpu.sort %max3A_818, %max3A_818 masked %masked_sort3A_819 : (vector<16xf32>, vector<16xf32>, vector<16xi1>) -> (vector<16xi1>, vector<16xf32>, vector<16xf32>)
        %get3A_823 = arith.constant 9 : i32
        %get3A_824 = arith.index_cast %get3A_823 : i32 to index
        %get3A_825 = arith.index_cast %mul3A_706 : i32 to index
        %get3A_826 = tpu.vector_load %arg5[%get3A_824, %get3A_825] {strides = array<i32>} : memref<16x2048xf32, #tpu.memory_space<vmem>>, vector<16xf32>,
        %masked_sort3A_827 = arith.constant dense<true> : vector<16xi1>
        %masked_sort3A_828, %masked_sort3A_829, %masked_sort3A_830 = tpu.sort %get3A_826, %get3A_826 masked %masked_sort3A_827 {descending = true} : (vector<16xf32>, vector<16xf32>, vector<16xi1>) -> (vector<16xi1>, vector<16xf32>, vector<16xf32>)
        %max3A_831 = arith.maximumf %scan3A_698, %masked_sort3A_829 : vector<16xf32>
        %masked_sort3A_832 = arith.constant dense<true> : vector<16xi1>
        %masked_sort3A_833, %masked_sort3A_834, %masked_sort3A_835 = tpu.sort %max3A_831, %max3A_831 masked %masked_sort3A_832 : (vector<16xf32>, vector<16xf32>, vector<16xi1>) -> (vector<16xi1>, vector<16xf32>, vector<16xf32>)
        %get3A_836 = arith.constant 10 : i32
        %get3A_837 = arith.index_cast %get3A_836 : i32 to index
        %get3A_838 = arith.index_cast %mul3A_706 : i32 to index
        %get3A_839 = tpu.vector_load %arg5[%get3A_837, %get3A_838] {strides = array<i32>} : memref<16x2048xf32, #tpu.memory_space<vmem>>, vector<16xf32>,
        %masked_sort3A_840 = arith.constant dense<true> : vector<16xi1>
        %masked_sort3A_841, %masked_sort3A_842, %masked_sort3A_843 = tpu.sort %get3A_839, %get3A_839 masked %masked_sort3A_840 {descending = true} : (vector<16xf32>, vector<16xf32>, vector<16xi1>) -> (vector<16xi1>, vector<16xf32>, vector<16xf32>)
        %max3A_844 = arith.maximumf %scan3A_699, %masked_sort3A_842 : vector<16xf32>
        %masked_sort3A_845 = arith.constant dense<true> : vector<16xi1>
        %masked_sort3A_846, %masked_sort3A_847, %masked_sort3A_848 = tpu.sort %max3A_844, %max3A_844 masked %masked_sort3A_845 : (vector<16xf32>, vector<16xf32>, vector<16xi1>) -> (vector<16xi1>, vector<16xf32>, vector<16xf32>)
        %get3A_849 = arith.constant 11 : i32
        %get3A_850 = arith.index_cast %get3A_849 : i32 to index
        %get3A_851 = arith.index_cast %mul3A_706 : i32 to index
        %get3A_852 = tpu.vector_load %arg5[%get3A_850, %get3A_851] {strides = array<i32>} : memref<16x2048xf32, #tpu.memory_space<vmem>>, vector<16xf32>,
        %masked_sort3A_853 = arith.constant dense<true> : vector<16xi1>
        %masked_sort3A_854, %masked_sort3A_855, %masked_sort3A_856 = tpu.sort %get3A_852, %get3A_852 masked %masked_sort3A_853 {descending = true} : (vector<16xf32>, vector<16xf32>, vector<16xi1>) -> (vector<16xi1>, vector<16xf32>, vector<16xf32>)
        %max3A_857 = arith.maximumf %scan3A_700, %masked_sort3A_855 : vector<16xf32>
        %masked_sort3A_858 = arith.constant dense<true> : vector<16xi1>
        %masked_sort3A_859, %masked_sort3A_860, %masked_sort3A_861 = tpu.sort %max3A_857, %max3A_857 masked %masked_sort3A_858 : (vector<16xf32>, vector<16xf32>, vector<16xi1>) -> (vector<16xi1>, vector<16xf32>, vector<16xf32>)
        %get3A_862 = arith.constant 12 : i32
        %get3A_863 = arith.index_cast %get3A_862 : i32 to index
        %get3A_864 = arith.index_cast %mul3A_706 : i32 to index
        %get3A_865 = tpu.vector_load %arg5[%get3A_863, %get3A_864] {strides = array<i32>} : memref<16x2048xf32, #tpu.memory_space<vmem>>, vector<16xf32>,
        %masked_sort3A_866 = arith.constant dense<true> : vector<16xi1>
        %masked_sort3A_867, %masked_sort3A_868, %masked_sort3A_869 = tpu.sort %get3A_865, %get3A_865 masked %masked_sort3A_866 {descending = true} : (vector<16xf32>, vector<16xf32>, vector<16xi1>) -> (vector<16xi1>, vector<16xf32>, vector<16xf32>)
        %max3A_870 = arith.maximumf %scan3A_701, %masked_sort3A_868 : vector<16xf32>
        %masked_sort3A_871 = arith.constant dense<true> : vector<16xi1>
        %masked_sort3A_872, %masked_sort3A_873, %masked_sort3A_874 = tpu.sort %max3A_870, %max3A_870 masked %masked_sort3A_871 : (vector<16xf32>, vector<16xf32>, vector<16xi1>) -> (vector<16xi1>, vector<16xf32>, vector<16xf32>)
        %get3A_875 = arith.constant 13 : i32
        %get3A_876 = arith.index_cast %get3A_875 : i32 to index
        %get3A_877 = arith.index_cast %mul3A_706 : i32 to index
        %get3A_878 = tpu.vector_load %arg5[%get3A_876, %get3A_877] {strides = array<i32>} : memref<16x2048xf32, #tpu.memory_space<vmem>>, vector<16xf32>,
        %masked_sort3A_879 = arith.constant dense<true> : vector<16xi1>
        %masked_sort3A_880, %masked_sort3A_881, %masked_sort3A_882 = tpu.sort %get3A_878, %get3A_878 masked %masked_sort3A_879 {descending = true} : (vector<16xf32>, vector<16xf32>, vector<16xi1>) -> (vector<16xi1>, vector<16xf32>, vector<16xf32>)
        %max3A_883 = arith.maximumf %scan3A_702, %masked_sort3A_881 : vector<16xf32>
        %masked_sort3A_884 = arith.constant dense<true> : vector<16xi1>
        %masked_sort3A_885, %masked_sort3A_886, %masked_sort3A_887 = tpu.sort %max3A_883, %max3A_883 masked %masked_sort3A_884 : (vector<16xf32>, vector<16xf32>, vector<16xi1>) -> (vector<16xi1>, vector<16xf32>, vector<16xf32>)
        %get3A_888 = arith.constant 14 : i32
        %get3A_889 = arith.index_cast %get3A_888 : i32 to index
        %get3A_890 = arith.index_cast %mul3A_706 : i32 to index
        %get3A_891 = tpu.vector_load %arg5[%get3A_889, %get3A_890] {strides = array<i32>} : memref<16x2048xf32, #tpu.memory_space<vmem>>, vector<16xf32>,
        %masked_sort3A_892 = arith.constant dense<true> : vector<16xi1>
        %masked_sort3A_893, %masked_sort3A_894, %masked_sort3A_895 = tpu.sort %get3A_891, %get3A_891 masked %masked_sort3A_892 {descending = true} : (vector<16xf32>, vector<16xf32>, vector<16xi1>) -> (vector<16xi1>, vector<16xf32>, vector<16xf32>)
        %max3A_896 = arith.maximumf %scan3A_703, %masked_sort3A_894 : vector<16xf32>
        %masked_sort3A_897 = arith.constant dense<true> : vector<16xi1>
        %masked_sort3A_898, %masked_sort3A_899, %masked_sort3A_900 = tpu.sort %max3A_896, %max3A_896 masked %masked_sort3A_897 : (vector<16xf32>, vector<16xf32>, vector<16xi1>) -> (vector<16xi1>, vector<16xf32>, vector<16xf32>)
        %get3A_901 = arith.constant 15 : i32
        %get3A_902 = arith.index_cast %get3A_901 : i32 to index
        %get3A_903 = arith.index_cast %mul3A_706 : i32 to index
        %get3A_904 = tpu.vector_load %arg5[%get3A_902, %get3A_903] {strides = array<i32>} : memref<16x2048xf32, #tpu.memory_space<vmem>>, vector<16xf32>,
        %masked_sort3A_905 = arith.constant dense<true> : vector<16xi1>
        %masked_sort3A_906, %masked_sort3A_907, %masked_sort3A_908 = tpu.sort %get3A_904, %get3A_904 masked %masked_sort3A_905 {descending = true} : (vector<16xf32>, vector<16xf32>, vector<16xi1>) -> (vector<16xi1>, vector<16xf32>, vector<16xf32>)
        %max3A_909 = arith.maximumf %scan3A_704, %masked_sort3A_907 : vector<16xf32>
        %masked_sort3A_910 = arith.constant dense<true> : vector<16xi1>
        %masked_sort3A_911, %masked_sort3A_912, %masked_sort3A_913 = tpu.sort %max3A_909, %max3A_909 masked %masked_sort3A_910 : (vector<16xf32>, vector<16xf32>, vector<16xi1>) -> (vector<16xi1>, vector<16xf32>, vector<16xf32>)
        scf.yield %masked_sort3A_717, %masked_sort3A_730, %masked_sort3A_743, %masked_sort3A_756, %masked_sort3A_769, %masked_sort3A_782, %masked_sort3A_795, %masked_sort3A_808, %masked_sort3A_821, %masked_sort3A_834, %masked_sort3A_847, %masked_sort3A_860, %masked_sort3A_873, %masked_sort3A_886, %masked_sort3A_899, %masked_sort3A_912 : vector<16xf32>, vector<16xf32>, vector<16xf32>, vector<16xf32>, vector<16xf32>, vector<16xf32>, vector<16xf32>, vector<16xf32>, vector<16xf32>, vector<16xf32>, vector<16xf32>, vector<16xf32>, vector<16xf32>, vector<16xf32>, vector<16xf32>, vector<16xf32>
      }
      %scan3A_492 = arith.constant 127 : i32
      %eq3A_493 = arith.constant 15 : i32
      %eq3A_494 = vector.broadcast %eq3A_493 : i32 to vector<16xi32>
      %eq3A_495 = arith.cmpi eq, %iota3A, %eq3A_494 : vector<16xi32>
      %broadcast_in_dim3A_496 = arith.constant true
      %broadcast_in_dim3A_497 = vector.broadcast %broadcast_in_dim3A_496 : i1 to vector<16xi1>
      %masked_cumsum3A_498 = tpu.scan <sum>, %scan3A_491#0 masked %broadcast_in_dim3A_497 : vector<16xf32>, vector<16xi1> -> vector<16xf32>
      %mul3A_499 = arith.constant 6.250000e-02 : f32
      %mul3A_500 = vector.broadcast %mul3A_499 : f32 to vector<16xf32>
      %mul3A_501 = arith.mulf %masked_cumsum3A_498, %mul3A_500 : vector<16xf32>
      %mul3A_502 = arith.constant 16 : i32
      %mul3A_503 = arith.muli %add3A_358, %mul3A_502 : i32
      %add3A_504 = arith.constant 0 : i32
      %add3A_505 = arith.addi %mul3A_503, %add3A_504 : i32
      %swap3A_506 = arith.index_cast %add3A_505 : i32 to index
      %swap3A_507 = tpu.vector_load %arg6[%swap3A_506] masked %eq3A_495 {strides = array<i32>} : memref<1040xf32, #tpu.memory_space<vmem>>, vector<16xf32>, vector<16xi1>
      tpu.vector_store %arg6[%swap3A_506], %mul3A_501 masked %eq3A_495 {strides = array<i32>} : memref<1040xf32, #tpu.memory_space<vmem>>, vector<16xf32>, vector<16xi1>
      %broadcast_in_dim3A_508 = arith.constant true
      %broadcast_in_dim3A_509 = vector.broadcast %broadcast_in_dim3A_508 : i1 to vector<16xi1>
      %masked_cumsum3A_510 = tpu.scan <sum>, %scan3A_491#1 masked %broadcast_in_dim3A_509 : vector<16xf32>, vector<16xi1> -> vector<16xf32>
      %mul3A_511 = arith.constant 6.250000e-02 : f32
      %mul3A_512 = vector.broadcast %mul3A_511 : f32 to vector<16xf32>
      %mul3A_513 = arith.mulf %masked_cumsum3A_510, %mul3A_512 : vector<16xf32>
      %mul3A_514 = arith.constant 16 : i32
      %mul3A_515 = arith.muli %add3A_358, %mul3A_514 : i32
      %add3A_516 = arith.constant 1 : i32
      %add3A_517 = arith.addi %mul3A_515, %add3A_516 : i32
      %swap3A_518 = arith.index_cast %add3A_517 : i32 to index
      %swap3A_519 = tpu.vector_load %arg6[%swap3A_518] masked %eq3A_495 {strides = array<i32>} : memref<1040xf32, #tpu.memory_space<vmem>>, vector<16xf32>, vector<16xi1>
      tpu.vector_store %arg6[%swap3A_518], %mul3A_513 masked %eq3A_495 {strides = array<i32>} : memref<1040xf32, #tpu.memory_space<vmem>>, vector<16xf32>, vector<16xi1>
      %broadcast_in_dim3A_520 = arith.constant true
      %broadcast_in_dim3A_521 = vector.broadcast %broadcast_in_dim3A_520 : i1 to vector<16xi1>
      %masked_cumsum3A_522 = tpu.scan <sum>, %scan3A_491#2 masked %broadcast_in_dim3A_521 : vector<16xf32>, vector<16xi1> -> vector<16xf32>
      %mul3A_523 = arith.constant 6.250000e-02 : f32
      %mul3A_524 = vector.broadcast %mul3A_523 : f32 to vector<16xf32>
      %mul3A_525 = arith.mulf %masked_cumsum3A_522, %mul3A_524 : vector<16xf32>
      %mul3A_526 = arith.constant 16 : i32
      %mul3A_527 = arith.muli %add3A_358, %mul3A_526 : i32
      %add3A_528 = arith.constant 2 : i32
      %add3A_529 = arith.addi %mul3A_527, %add3A_528 : i32
      %swap3A_530 = arith.index_cast %add3A_529 : i32 to index
      %swap3A_531 = tpu.vector_load %arg6[%swap3A_530] masked %eq3A_495 {strides = array<i32>} : memref<1040xf32, #tpu.memory_space<vmem>>, vector<16xf32>, vector<16xi1>
      tpu.vector_store %arg6[%swap3A_530], %mul3A_525 masked %eq3A_495 {strides = array<i32>} : memref<1040xf32, #tpu.memory_space<vmem>>, vector<16xf32>, vector<16xi1>
      %broadcast_in_dim3A_532 = arith.constant true
      %broadcast_in_dim3A_533 = vector.broadcast %broadcast_in_dim3A_532 : i1 to vector<16xi1>
      %masked_cumsum3A_534 = tpu.scan <sum>, %scan3A_491#3 masked %broadcast_in_dim3A_533 : vector<16xf32>, vector<16xi1> -> vector<16xf32>
      %mul3A_535 = arith.constant 6.250000e-02 : f32
      %mul3A_536 = vector.broadcast %mul3A_535 : f32 to vector<16xf32>
      %mul3A_537 = arith.mulf %masked_cumsum3A_534, %mul3A_536 : vector<16xf32>
      %mul3A_538 = arith.constant 16 : i32
      %mul3A_539 = arith.muli %add3A_358, %mul3A_538 : i32
      %add3A_540 = arith.constant 3 : i32
      %add3A_541 = arith.addi %mul3A_539, %add3A_540 : i32
      %swap3A_542 = arith.index_cast %add3A_541 : i32 to index
      %swap3A_543 = tpu.vector_load %arg6[%swap3A_542] masked %eq3A_495 {strides = array<i32>} : memref<1040xf32, #tpu.memory_space<vmem>>, vector<16xf32>, vector<16xi1>
      tpu.vector_store %arg6[%swap3A_542], %mul3A_537 masked %eq3A_495 {strides = array<i32>} : memref<1040xf32, #tpu.memory_space<vmem>>, vector<16xf32>, vector<16xi1>
      %broadcast_in_dim3A_544 = arith.constant true
      %broadcast_in_dim3A_545 = vector.broadcast %broadcast_in_dim3A_544 : i1 to vector<16xi1>
      %masked_cumsum3A_546 = tpu.scan <sum>, %scan3A_491#4 masked %broadcast_in_dim3A_545 : vector<16xf32>, vector<16xi1> -> vector<16xf32>
      %mul3A_547 = arith.constant 6.250000e-02 : f32
      %mul3A_548 = vector.broadcast %mul3A_547 : f32 to vector<16xf32>
      %mul3A_549 = arith.mulf %masked_cumsum3A_546, %mul3A_548 : vector<16xf32>
      %mul3A_550 = arith.constant 16 : i32
      %mul3A_551 = arith.muli %add3A_358, %mul3A_550 : i32
      %add3A_552 = arith.constant 4 : i32
      %add3A_553 = arith.addi %mul3A_551, %add3A_552 : i32
      %swap3A_554 = arith.index_cast %add3A_553 : i32 to index
      %swap3A_555 = tpu.vector_load %arg6[%swap3A_554] masked %eq3A_495 {strides = array<i32>} : memref<1040xf32, #tpu.memory_space<vmem>>, vector<16xf32>, vector<16xi1>
      tpu.vector_store %arg6[%swap3A_554], %mul3A_549 masked %eq3A_495 {strides = array<i32>} : memref<1040xf32, #tpu.memory_space<vmem>>, vector<16xf32>, vector<16xi1>
      %broadcast_in_dim3A_556 = arith.constant true
      %broadcast_in_dim3A_557 = vector.broadcast %broadcast_in_dim3A_556 : i1 to vector<16xi1>
      %masked_cumsum3A_558 = tpu.scan <sum>, %scan3A_491#5 masked %broadcast_in_dim3A_557 : vector<16xf32>, vector<16xi1> -> vector<16xf32>
      %mul3A_559 = arith.constant 6.250000e-02 : f32
      %mul3A_560 = vector.broadcast %mul3A_559 : f32 to vector<16xf32>
      %mul3A_561 = arith.mulf %masked_cumsum3A_558, %mul3A_560 : vector<16xf32>
      %mul3A_562 = arith.constant 16 : i32
      %mul3A_563 = arith.muli %add3A_358, %mul3A_562 : i32
      %add3A_564 = arith.constant 5 : i32
      %add3A_565 = arith.addi %mul3A_563, %add3A_564 : i32
      %swap3A_566 = arith.index_cast %add3A_565 : i32 to index
      %swap3A_567 = tpu.vector_load %arg6[%swap3A_566] masked %eq3A_495 {strides = array<i32>} : memref<1040xf32, #tpu.memory_space<vmem>>, vector<16xf32>, vector<16xi1>
      tpu.vector_store %arg6[%swap3A_566], %mul3A_561 masked %eq3A_495 {strides = array<i32>} : memref<1040xf32, #tpu.memory_space<vmem>>, vector<16xf32>, vector<16xi1>
      %broadcast_in_dim3A_568 = arith.constant true
      %broadcast_in_dim3A_569 = vector.broadcast %broadcast_in_dim3A_568 : i1 to vector<16xi1>
      %masked_cumsum3A_570 = tpu.scan <sum>, %scan3A_491#6 masked %broadcast_in_dim3A_569 : vector<16xf32>, vector<16xi1> -> vector<16xf32>
      %mul3A_571 = arith.constant 6.250000e-02 : f32
      %mul3A_572 = vector.broadcast %mul3A_571 : f32 to vector<16xf32>
      %mul3A_573 = arith.mulf %masked_cumsum3A_570, %mul3A_572 : vector<16xf32>
      %mul3A_574 = arith.constant 16 : i32
      %mul3A_575 = arith.muli %add3A_358, %mul3A_574 : i32
      %add3A_576 = arith.constant 6 : i32
      %add3A_577 = arith.addi %mul3A_575, %add3A_576 : i32
      %swap3A_578 = arith.index_cast %add3A_577 : i32 to index
      %swap3A_579 = tpu.vector_load %arg6[%swap3A_578] masked %eq3A_495 {strides = array<i32>} : memref<1040xf32, #tpu.memory_space<vmem>>, vector<16xf32>, vector<16xi1>
      tpu.vector_store %arg6[%swap3A_578], %mul3A_573 masked %eq3A_495 {strides = array<i32>} : memref<1040xf32, #tpu.memory_space<vmem>>, vector<16xf32>, vector<16xi1>
      %broadcast_in_dim3A_580 = arith.constant true
      %broadcast_in_dim3A_581 = vector.broadcast %broadcast_in_dim3A_580 : i1 to vector<16xi1>
      %masked_cumsum3A_582 = tpu.scan <sum>, %scan3A_491#7 masked %broadcast_in_dim3A_581 : vector<16xf32>, vector<16xi1> -> vector<16xf32>
      %mul3A_583 = arith.constant 6.250000e-02 : f32
      %mul3A_584 = vector.broadcast %mul3A_583 : f32 to vector<16xf32>
      %mul3A_585 = arith.mulf %masked_cumsum3A_582, %mul3A_584 : vector<16xf32>
      %mul3A_586 = arith.constant 16 : i32
      %mul3A_587 = arith.muli %add3A_358, %mul3A_586 : i32
      %add3A_588 = arith.constant 7 : i32
      %add3A_589 = arith.addi %mul3A_587, %add3A_588 : i32
      %swap3A_590 = arith.index_cast %add3A_589 : i32 to index
      %swap3A_591 = tpu.vector_load %arg6[%swap3A_590] masked %eq3A_495 {strides = array<i32>} : memref<1040xf32, #tpu.memory_space<vmem>>, vector<16xf32>, vector<16xi1>
      tpu.vector_store %arg6[%swap3A_590], %mul3A_585 masked %eq3A_495 {strides = array<i32>} : memref<1040xf32, #tpu.memory_space<vmem>>, vector<16xf32>, vector<16xi1>
      %broadcast_in_dim3A_592 = arith.constant true
      %broadcast_in_dim3A_593 = vector.broadcast %broadcast_in_dim3A_592 : i1 to vector<16xi1>
      %masked_cumsum3A_594 = tpu.scan <sum>, %scan3A_491#8 masked %broadcast_in_dim3A_593 : vector<16xf32>, vector<16xi1> -> vector<16xf32>
      %mul3A_595 = arith.constant 6.250000e-02 : f32
      %mul3A_596 = vector.broadcast %mul3A_595 : f32 to vector<16xf32>
      %mul3A_597 = arith.mulf %masked_cumsum3A_594, %mul3A_596 : vector<16xf32>
      %mul3A_598 = arith.constant 16 : i32
      %mul3A_599 = arith.muli %add3A_358, %mul3A_598 : i32
      %add3A_600 = arith.constant 8 : i32
      %add3A_601 = arith.addi %mul3A_599, %add3A_600 : i32
      %swap3A_602 = arith.index_cast %add3A_601 : i32 to index
      %swap3A_603 = tpu.vector_load %arg6[%swap3A_602] masked %eq3A_495 {strides = array<i32>} : memref<1040xf32, #tpu.memory_space<vmem>>, vector<16xf32>, vector<16xi1>
      tpu.vector_store %arg6[%swap3A_602], %mul3A_597 masked %eq3A_495 {strides = array<i32>} : memref<1040xf32, #tpu.memory_space<vmem>>, vector<16xf32>, vector<16xi1>
      %broadcast_in_dim3A_604 = arith.constant true
      %broadcast_in_dim3A_605 = vector.broadcast %broadcast_in_dim3A_604 : i1 to vector<16xi1>
      %masked_cumsum3A_606 = tpu.scan <sum>, %scan3A_491#9 masked %broadcast_in_dim3A_605 : vector<16xf32>, vector<16xi1> -> vector<16xf32>
      %mul3A_607 = arith.constant 6.250000e-02 : f32
      %mul3A_608 = vector.broadcast %mul3A_607 : f32 to vector<16xf32>
      %mul3A_609 = arith.mulf %masked_cumsum3A_606, %mul3A_608 : vector<16xf32>
      %mul3A_610 = arith.constant 16 : i32
      %mul3A_611 = arith.muli %add3A_358, %mul3A_610 : i32
      %add3A_612 = arith.constant 9 : i32
      %add3A_613 = arith.addi %mul3A_611, %add3A_612 : i32
      %swap3A_614 = arith.index_cast %add3A_613 : i32 to index
      %swap3A_615 = tpu.vector_load %arg6[%swap3A_614] masked %eq3A_495 {strides = array<i32>} : memref<1040xf32, #tpu.memory_space<vmem>>, vector<16xf32>, vector<16xi1>
      tpu.vector_store %arg6[%swap3A_614], %mul3A_609 masked %eq3A_495 {strides = array<i32>} : memref<1040xf32, #tpu.memory_space<vmem>>, vector<16xf32>, vector<16xi1>
      %broadcast_in_dim3A_616 = arith.constant true
      %broadcast_in_dim3A_617 = vector.broadcast %broadcast_in_dim3A_616 : i1 to vector<16xi1>
      %masked_cumsum3A_618 = tpu.scan <sum>, %scan3A_491#10 masked %broadcast_in_dim3A_617 : vector<16xf32>, vector<16xi1> -> vector<16xf32>
      %mul3A_619 = arith.constant 6.250000e-02 : f32
      %mul3A_620 = vector.broadcast %mul3A_619 : f32 to vector<16xf32>
      %mul3A_621 = arith.mulf %masked_cumsum3A_618, %mul3A_620 : vector<16xf32>
      %mul3A_622 = arith.constant 16 : i32
      %mul3A_623 = arith.muli %add3A_358, %mul3A_622 : i32
      %add3A_624 = arith.constant 10 : i32
      %add3A_625 = arith.addi %mul3A_623, %add3A_624 : i32
      %swap3A_626 = arith.index_cast %add3A_625 : i32 to index
      %swap3A_627 = tpu.vector_load %arg6[%swap3A_626] masked %eq3A_495 {strides = array<i32>} : memref<1040xf32, #tpu.memory_space<vmem>>, vector<16xf32>, vector<16xi1>
      tpu.vector_store %arg6[%swap3A_626], %mul3A_621 masked %eq3A_495 {strides = array<i32>} : memref<1040xf32, #tpu.memory_space<vmem>>, vector<16xf32>, vector<16xi1>
      %broadcast_in_dim3A_628 = arith.constant true
      %broadcast_in_dim3A_629 = vector.broadcast %broadcast_in_dim3A_628 : i1 to vector<16xi1>
      %masked_cumsum3A_630 = tpu.scan <sum>, %scan3A_491#11 masked %broadcast_in_dim3A_629 : vector<16xf32>, vector<16xi1> -> vector<16xf32>
      %mul3A_631 = arith.constant 6.250000e-02 : f32
      %mul3A_632 = vector.broadcast %mul3A_631 : f32 to vector<16xf32>
      %mul3A_633 = arith.mulf %masked_cumsum3A_630, %mul3A_632 : vector<16xf32>
      %mul3A_634 = arith.constant 16 : i32
      %mul3A_635 = arith.muli %add3A_358, %mul3A_634 : i32
      %add3A_636 = arith.constant 11 : i32
      %add3A_637 = arith.addi %mul3A_635, %add3A_636 : i32
      %swap3A_638 = arith.index_cast %add3A_637 : i32 to index
      %swap3A_639 = tpu.vector_load %arg6[%swap3A_638] masked %eq3A_495 {strides = array<i32>} : memref<1040xf32, #tpu.memory_space<vmem>>, vector<16xf32>, vector<16xi1>
      tpu.vector_store %arg6[%swap3A_638], %mul3A_633 masked %eq3A_495 {strides = array<i32>} : memref<1040xf32, #tpu.memory_space<vmem>>, vector<16xf32>, vector<16xi1>
      %broadcast_in_dim3A_640 = arith.constant true
      %broadcast_in_dim3A_641 = vector.broadcast %broadcast_in_dim3A_640 : i1 to vector<16xi1>
      %masked_cumsum3A_642 = tpu.scan <sum>, %scan3A_491#12 masked %broadcast_in_dim3A_641 : vector<16xf32>, vector<16xi1> -> vector<16xf32>
      %mul3A_643 = arith.constant 6.250000e-02 : f32
      %mul3A_644 = vector.broadcast %mul3A_643 : f32 to vector<16xf32>
      %mul3A_645 = arith.mulf %masked_cumsum3A_642, %mul3A_644 : vector<16xf32>
      %mul3A_646 = arith.constant 16 : i32
      %mul3A_647 = arith.muli %add3A_358, %mul3A_646 : i32
      %add3A_648 = arith.constant 12 : i32
      %add3A_649 = arith.addi %mul3A_647, %add3A_648 : i32
      %swap3A_650 = arith.index_cast %add3A_649 : i32 to index
      %swap3A_651 = tpu.vector_load %arg6[%swap3A_650] masked %eq3A_495 {strides = array<i32>} : memref<1040xf32, #tpu.memory_space<vmem>>, vector<16xf32>, vector<16xi1>
      tpu.vector_store %arg6[%swap3A_650], %mul3A_645 masked %eq3A_495 {strides = array<i32>} : memref<1040xf32, #tpu.memory_space<vmem>>, vector<16xf32>, vector<16xi1>
      %broadcast_in_dim3A_652 = arith.constant true
      %broadcast_in_dim3A_653 = vector.broadcast %broadcast_in_dim3A_652 : i1 to vector<16xi1>
      %masked_cumsum3A_654 = tpu.scan <sum>, %scan3A_491#13 masked %broadcast_in_dim3A_653 : vector<16xf32>, vector<16xi1> -> vector<16xf32>
      %mul3A_655 = arith.constant 6.250000e-02 : f32
      %mul3A_656 = vector.broadcast %mul3A_655 : f32 to vector<16xf32>
      %mul3A_657 = arith.mulf %masked_cumsum3A_654, %mul3A_656 : vector<16xf32>
      %mul3A_658 = arith.constant 16 : i32
      %mul3A_659 = arith.muli %add3A_358, %mul3A_658 : i32
      %add3A_660 = arith.constant 13 : i32
      %add3A_661 = arith.addi %mul3A_659, %add3A_660 : i32
      %swap3A_662 = arith.index_cast %add3A_661 : i32 to index
      %swap3A_663 = tpu.vector_load %arg6[%swap3A_662] masked %eq3A_495 {strides = array<i32>} : memref<1040xf32, #tpu.memory_space<vmem>>, vector<16xf32>, vector<16xi1>
      tpu.vector_store %arg6[%swap3A_662], %mul3A_657 masked %eq3A_495 {strides = array<i32>} : memref<1040xf32, #tpu.memory_space<vmem>>, vector<16xf32>, vector<16xi1>
      %broadcast_in_dim3A_664 = arith.constant true
      %broadcast_in_dim3A_665 = vector.broadcast %broadcast_in_dim3A_664 : i1 to vector<16xi1>
      %masked_cumsum3A_666 = tpu.scan <sum>, %scan3A_491#14 masked %broadcast_in_dim3A_665 : vector<16xf32>, vector<16xi1> -> vector<16xf32>
      %mul3A_667 = arith.constant 6.250000e-02 : f32
      %mul3A_668 = vector.broadcast %mul3A_667 : f32 to vector<16xf32>
      %mul3A_669 = arith.mulf %masked_cumsum3A_666, %mul3A_668 : vector<16xf32>
      %mul3A_670 = arith.constant 16 : i32
      %mul3A_671 = arith.muli %add3A_358, %mul3A_670 : i32
      %add3A_672 = arith.constant 14 : i32
      %add3A_673 = arith.addi %mul3A_671, %add3A_672 : i32
      %swap3A_674 = arith.index_cast %add3A_673 : i32 to index
      %swap3A_675 = tpu.vector_load %arg6[%swap3A_674] masked %eq3A_495 {strides = array<i32>} : memref<1040xf32, #tpu.memory_space<vmem>>, vector<16xf32>, vector<16xi1>
      tpu.vector_store %arg6[%swap3A_674], %mul3A_669 masked %eq3A_495 {strides = array<i32>} : memref<1040xf32, #tpu.memory_space<vmem>>, vector<16xf32>, vector<16xi1>
      %broadcast_in_dim3A_676 = arith.constant true
      %broadcast_in_dim3A_677 = vector.broadcast %broadcast_in_dim3A_676 : i1 to vector<16xi1>
      %masked_cumsum3A_678 = tpu.scan <sum>, %scan3A_491#15 masked %broadcast_in_dim3A_677 : vector<16xf32>, vector<16xi1> -> vector<16xf32>
      %mul3A_679 = arith.constant 6.250000e-02 : f32
      %mul3A_680 = vector.broadcast %mul3A_679 : f32 to vector<16xf32>
      %mul3A_681 = arith.mulf %masked_cumsum3A_678, %mul3A_680 : vector<16xf32>
      %mul3A_682 = arith.constant 16 : i32
      %mul3A_683 = arith.muli %add3A_358, %mul3A_682 : i32
      %add3A_684 = arith.constant 15 : i32
      %add3A_685 = arith.addi %mul3A_683, %add3A_684 : i32
      %swap3A_686 = arith.index_cast %add3A_685 : i32 to index
      %swap3A_687 = tpu.vector_load %arg6[%swap3A_686] masked %eq3A_495 {strides = array<i32>} : memref<1040xf32, #tpu.memory_space<vmem>>, vector<16xf32>, vector<16xi1>
      tpu.vector_store %arg6[%swap3A_686], %mul3A_681 masked %eq3A_495 {strides = array<i32>} : memref<1040xf32, #tpu.memory_space<vmem>>, vector<16xf32>, vector<16xi1>
    }
    %scan3A_12 = arith.constant 32 : i32
    "tpu.region"() ({
      %run_scoped3A = tpu.sem_alloc : memref<!tpu.dma_semaphore, #tpu.memory_space<semaphore_mem>>
      %dma_start3A_13 = arith.constant 0 : i32
      %dma_start3A_14 = tpu.memref_slice %arg6[%dma_start3A_13] : memref<1040xf32, #tpu.memory_space<vmem>> -> memref<1024xf32, #tpu.memory_space<vmem>>
      %dma_start3A_15 = tpu.memref_slice %arg3[%mul3A_2] : memref<32768xf32, #tpu.memory_space<hbm>> -> memref<1024xf32, #tpu.memory_space<hbm>>
      %dma_start3A_16 = tpu.memref_slice %arg3[%mul3A_2] : memref<32768xf32, #tpu.memory_space<hbm>> -> memref<1024xf32, #tpu.memory_space<hbm>>
      %dma_start3A_17 = arith.constant 0 : i32
      %dma_start3A_18 = tpu.memref_slice %arg6[%dma_start3A_17] : memref<1040xf32, #tpu.memory_space<vmem>> -> memref<1024xf32, #tpu.memory_space<vmem>>
      tpu.enqueue_dma source(%dma_start3A_18 : memref<1024xf32, #tpu.memory_space<vmem>>) target(%dma_start3A_16 : memref<1024xf32, #tpu.memory_space<hbm>>) target_semaphore(%run_scoped3A : memref<!tpu.dma_semaphore, #tpu.memory_space<semaphore_mem>>)
      %dma_wait3A = arith.constant 0 : i32
      %dma_wait3A_19 = tpu.memref_slice %arg6[%dma_wait3A] : memref<1040xf32, #tpu.memory_space<vmem>> -> memref<1024xf32, #tpu.memory_space<vmem>>
      %dma_wait3A_20 = tpu.memref_slice %arg3[%mul3A_2] : memref<32768xf32, #tpu.memory_space<hbm>> -> memref<1024xf32, #tpu.memory_space<hbm>>
      %dma_wait3A_21 = tpu.memref_slice %arg3[%mul3A_2] : memref<32768xf32, #tpu.memory_space<hbm>> -> memref<1024xf32, #tpu.memory_space<hbm>>
      %dma_wait3A_22 = arith.constant 0 : i32
      %dma_wait3A_23 = tpu.memref_slice %arg6[%dma_wait3A_22] : memref<1040xf32, #tpu.memory_space<vmem>> -> memref<1024xf32, #tpu.memory_space<vmem>>
      tpu.wait_dma2 semaphore(%run_scoped3A : memref<!tpu.dma_semaphore, #tpu.memory_space<semaphore_mem>>) src(%dma_wait3A_23 : memref<1024xf32, #tpu.memory_space<vmem>>) dst(%dma_wait3A_21 : memref<1024xf32, #tpu.memory_space<hbm>>)
      tpu.yield
    }) : () -> ()
    return
  }
}

</mosaic_0001>

<sc_bundles>
// kernel: kernel.3.cloned.1.call-start
scs
__scs_entry_jumppad:
0x0: {  	(pc) =	sbr.rel $0x88, $3  }
0x1: {  	(tag) =	ssettag $0x0;
	lr =	simm.s32 $0x1  }
0x2: {  	[smem:$0x3FA0] =	sst lr;
	_ =	strace $0xD0000000  }
0x3: {  	_ = 	snop  }
0x4: {  	_ = 	snop  }
0x5: {  	_ = 	snop  }
0x6: {  	_ = 	snop  }
0x7: {  	_ = 	snop  }
__scs_overlays_trampoline_lowered:
0x8: {  	[smem:$0x3FAF] =	sst s0  }
0x9: {  	[smem:$0x3FB0] =	sst s1  }
0xa: {  	[smem:$0x3FB1] =	sst s2  }
0xb: {  	[smem:$0x3FB2] =	sst s3  }
0xc: {  	[smem:$0x3FB3] =	sst s4  }
0xd: {  	[smem:$0x3FB4] =	sst s5  }
0xe: {  	[smem:$0x3FB5] =	sst s6  }
0xf: {  	[smem:$0x3FB6] =	sst s7  }
0x10: {  	[smem:$0x3FB7] =	sst s8  }
0x11: {  	[smem:$0x3FB8] =	sst s9;
	s0 =	simm.s32 @!p0 $0x0  }
0x12: {  	s1 =	sld [smem:$0x3F9E];
	s0 =	simm.s32 @p0 $0x1  }
0x13: {  	[smem:$0x3FB9] =	sst s0;
	s0 =	simm.s32 @!p1 $0x0  }
0x14: {  	s2 =	sld [smem:$0x3F9D];
	s0 =	simm.s32 @p1 $0x1  }
0x15: {  	[smem:$0x3FBA] =	sst s0;
	s0 =	simm.s32 @!p2 $0x0  }
0x16: {  	s3 =	sld [smem:$0x3FDB];
	s0 =	simm.s32 @p2 $0x1  }
0x17: {  	s4 =	simm.s32 $0x1BF5;
	[smem:$0x3FBC] =	sst s0  }
0x18: {  	s0 =	sld [smem:$0x3F9F];
	_ =	swait.ge [sflag:s4], $0x0  }
0x19: {  	s7 =	sld [smem:$0x3FA0]  }
0x1a: {  	s8 =	sadd.s32 $0xFFFFE003, lr  }
0x1b: {  	s9 =	sadd.s32 $0xFFFFFEF7, lr;
	s5 =	simm.s32 $0xFFFFFFFF;
	p2 =	slt.u32 s8, $0xFFFFF086  }
0x1c: {  	p1 =	slt.u32 s9, $0xF7A;
	s5 =	simm.s32 @!p2 $0x0  }
0x1d: {  	s5 =	simm.s32 @p1 $0x1;
	p0 =	seq.s32 s7, s2  }
0x1e: {  	s7 =	smul.u32 @!p0 $0xF7A, s2;
	p2 =	seq.s32 @!p0 s5, $0x0  }
0x1f: {  	s9 =	smul.u32 $0xF7A, s1;
	s8 =	simm.s32 @!p0 $0x1BF5;
	p2 =	por !p2, p0  }
0x20: {  	[sflag:s8] =	ssyncset.s32 @!p0 $0xFFFFF086;
	s6 =	sadd.s32 @!p0 s3, s7;
	s7 =	simm.s32 @!p0 $0x108  }
0x21: {  	s3 =	sadd.s32 s3, s9;
	s6 =	sadd.s32 @!p0 $0x88, s6;
	s7 =	simm.s32 @p2 $0x1082  }
0x22: {  	[simem:s7], [sflag:s8] =	dma.local @!p0 [hbm:s6], $0xF7A  }
0x23: {  	s9 =	sor.u32 $0xD0000000, s2;
	s6 =	simm.s32 $0x108;
	_ =	swait.ge @!p0 [sflag:s8], $0x0  }
0x24: {  	s3 =	sadd.s32 $0x88, s3;
	s6 =	simm.s32 @!p1 $0x1082;
	[sflag:s4] =	ssyncset.s32 $0xFFFFF086  }
0x25: {  	[simem:s6], [sflag:s4] =	dma.local [hbm:s3], $0xF7A  }
0x26: {  	[smem:$0x3FA0] =	sst s1;
	(tag) =	ssettag s2;
	_ =	strace s9  }
0x27: {  	s1 =	sld [smem:$0x3FB0]  }
0x28: {  	s2 =	sld [smem:$0x3FB1]  }
0x29: {  	s4 =	sld [smem:$0x3FB3]  }
0x2a: {  	p0 =	seq.s32 s5, $0x0;
	s5 =	sld [smem:$0x3FB4]  }
0x2b: {  	s6 =	sld [smem:$0x3FB5]  }
0x2c: {  	s7 =	sld [smem:$0x3FB6]  }
0x2d: {  	s3 =	simm.s32 $0x108;
	s8 =	sld [smem:$0x3FB7]  }
0x2e: {  	s3 =	simm.s32 @!p0 $0x1082;
	s9 =	sld [smem:$0x3FB8]  }
0x2f: {  	lr =	sadd.s32 s0, s3;
	s0 =	sld [smem:$0x3FAF]  }
0x30: {  	s3 =	sld [smem:$0x3FB2]  }
0x31: {  	[smem:$0x3FBB] =	sst s10  }
0x32: {  	s10 =	sld [smem:$0x3FB9];
	_ =	sdelay $0x3  }
0x33: {  	p0 =	seq.s32 s10, $0x1;
	s10 =	sld [smem:$0x3FBB];
	_ =	sdelay $0x3  }
0x34: {  	[smem:$0x3FBB] =	sst s10  }
0x35: {  	s10 =	sld [smem:$0x3FBA];
	_ =	sdelay $0x3  }
0x36: {  	p1 =	seq.s32 s10, $0x1;
	s10 =	sld [smem:$0x3FBB];
	_ =	sdelay $0x3  }
0x37: {  	[smem:$0x3FBB] =	sst s10  }
0x38: {  	s10 =	sld [smem:$0x3FBC]  }
0x39: {  	_ = 	snop;
	(pc) =	sbr.ind lr, $3  }
0x3a: {  	_ = 	snop  }
0x3b: {  	_ = 	snop  }
0x3c: {  	p2 =	seq.s32 s10, $0x1;
	s10 =	sld [smem:$0x3FBB]  }
0x3d: {  	_ =	shalt  }
0x3e: {  	_ =	shalt  }
0x3f: {  	_ =	shalt  }
0x40: {  	_ =	shalt  }
0x41: {  	_ =	shalt  }
0x42: {  	_ =	shalt  }
0x43: {  	_ =	shalt  }
0x44: {  	_ =	shalt  }
0x45: {  	_ =	shalt  }
0x46: {  	_ =	shalt  }
0x47: {  	_ =	shalt  }
0x48: {  	_ =	shalt  }
0x49: {  	_ =	shalt  }
0x4a: {  	_ =	shalt  }
0x4b: {  	_ =	shalt  }
0x4c: {  	_ =	shalt  }
0x4d: {  	_ =	shalt  }
0x4e: {  	_ =	shalt  }
0x4f: {  	_ =	shalt  }
0x50: {  	_ =	shalt  }
0x51: {  	_ =	shalt  }
0x52: {  	_ =	shalt  }
0x53: {  	_ =	shalt  }
0x54: {  	_ =	shalt  }
0x55: {  	_ =	shalt  }
0x56: {  	_ =	shalt  }
0x57: {  	_ =	shalt  }
0x58: {  	_ =	shalt  }
0x59: {  	_ =	shalt  }
0x5a: {  	_ =	shalt  }
0x5b: {  	_ =	shalt  }
0x5c: {  	_ =	shalt  }
0x5d: {  	_ =	shalt  }
0x5e: {  	_ =	shalt  }
0x5f: {  	_ =	shalt  }
0x60: {  	_ =	shalt  }
0x61: {  	_ =	shalt  }
0x62: {  	_ =	shalt  }
0x63: {  	_ =	shalt  }
0x64: {  	_ =	shalt  }
0x65: {  	_ =	shalt  }
0x66: {  	_ =	shalt  }
0x67: {  	_ =	shalt  }
0x68: {  	_ =	shalt  }
0x69: {  	_ =	shalt  }
0x6a: {  	_ =	shalt  }
0x6b: {  	_ =	shalt  }
0x6c: {  	_ =	shalt  }
0x6d: {  	_ =	shalt  }
0x6e: {  	_ =	shalt  }
0x6f: {  	_ =	shalt  }
0x70: {  	_ =	shalt  }
0x71: {  	_ =	shalt  }
0x72: {  	_ =	shalt  }
0x73: {  	_ =	shalt  }
0x74: {  	_ =	shalt  }
0x75: {  	_ =	shalt  }
0x76: {  	_ =	shalt  }
0x77: {  	_ =	shalt  }
0x78: {  	_ =	shalt  }
0x79: {  	_ =	shalt  }
0x7a: {  	_ =	shalt  }
0x7b: {  	_ =	shalt  }
0x7c: {  	_ =	shalt  }
0x7d: {  	_ =	shalt  }
0x7e: {  	_ =	shalt  }
0x7f: {  	_ =	shalt  }
0x80: {  	_ =	shalt  }
0x81: {  	_ =	shalt  }
0x82: {  	_ =	shalt  }
0x83: {  	_ =	shalt  }
0x84: {  	_ =	shalt  }
0x85: {  	_ =	shalt  }
0x86: {  	_ =	shalt  }
0x87: {  	_ =	shalt  }
.Lfunc_end0:
.L_simem_size_0:
called_computation_lowered:
.L_overlay_start_0:
0x88: {  	s2 =	sld [smem:$0x3FD9]  }
0x89: {  	s3 =	sld [smem:$0x3FFE];
	_ =	sdelay $0x1  }
0x8a: {  	s1 =	srdreg.scid  }
0x8b: {  	s0 =	sand.u32 $0x1, s1  }
0x8c: {  	s17 =	sshll.u32 s0, $0xA;
	s2 =	sadd.s32 s3, s2  }
0x8d: {  	s2 =	sadd.s32 s2, s17  }
0x8e: {  	[smem:$0x3FC7] =	sst s2  }
0x8f: {  	_ = 	snop  }
0x90: {  	s2 =	sld [smem:$0x3FC9];
	(tm) =	ssettm $0x1  }
0x91: {  	s18 =	sld [smem:$0x3FFB];
	_ =	sdelay $0x3  }
0x92: {  	_ =	strace s18  }
0x93: {  	s3 =	sld [smem:$0x3FFC];
	_ =	sdelay $0x3  }
0x94: {  	_ =	strace s3  }
0x95: {  	s3 =	sld [smem:$0x3FFD];
	_ =	sdelay $0x3  }
0x96: {  	_ =	strace s3  }
0x97: {  	_ =	strace $0x8FFFFFFF  }
0x98: {  	s19 =	sld [smem:$0x3FDB];
	_ =	sdelay $0x1  }
0x99: {  	s4 =	simm.s32 $_scs_section_size  }
0x9a: {  	s5 =	simm.s32 $_size__tile_overlayer_lowered;
	s6 =	simm.s32 $_tile_overlayer_lowered  }
0x9b: {  	s22 =	simm.s32 $0x1BFF;
	s21 =	sshll.u32 s6, $0x1;
	s3 =	sadd.s32 s4, s19  }
0x9c: {  	s7 =	simm.s32 $0x0;
	s20 =	sshll.u32 s5, $0x1;
	s5 =	sadd.s32 s21, s3  }
0x9d: {  	[timem:s7], [sflag:s22] =	dma.local [hbm:s5], s20  }
0x9e: {  	_ =	swait.ge [sflag:s22], s20  }
0x9f: {  	s4 =	ssub.s32 $0x0, s20;
	[sflag:s22] =	ssyncset.done $0x0  }
0xa0: {  	[sflag:s22] =	ssyncadd.s32 s4;
	_ =	sdelay $0x1  }
0xa1: {  	s23 =	simm.s32 $0x1B8B  }
0xa2: {  	_ =	swait.ge [sflag:s23], $0x1  }
0xa3: {  	[sflag:s23] =	ssyncset.done $0x0  }
0xa4: {  	s25 =	simm.s32 $0x1B8E;
	s24 =	sld [smem:$0x3FFE];
	[sflag:s23] =	ssyncadd.s32 $0xFFFFFFFF  }
0xa5: {  	s26 =	simm.s32 $execute0_lowered;
	[smem:$0x3FD2] =	sst s25  }
0xa6: {  	s5 =	sshll.u32 s26, $0x1;
	_ =	strace $0x80000046;
	[dreg:$0x1] =	wrdreg $0xFFFFFFFF  }
0xa7: {  	s28 =	simm.s32 $_size_execute0_lowered;
	s3 =	sadd.s32 s3, s5;
	[dreg:$0x0] =	wrdreg $0x0  }
0xa8: {  	s5 =	sshll.u32 s28, $0x1;
	[dreg:$0x2] =	wrdreg s3  }
0xa9: {  	[dreg:$0x3] =	wrdreg s5  }
0xaa: {  	[dreg:$0x4] =	wrdreg $0xC0  }
0xab: {  	_ =	task [dreg:s7], $0x5FFFF  }
0xac: {  	[dreg:$0x1] =	wrdreg $0xFFFFFFFF  }
0xad: {  	[dreg:$0x0] =	wrdreg $0x60  }
0xae: {  	[dreg:$0x2] =	wrdreg s2  }
0xaf: {  	[dreg:$0x3] =	wrdreg s24  }
0xb0: {  	[dreg:$0x4] =	wrdreg $0x9  }
0xb1: {  	_ =	task.clear_ibuf [dreg:s7], $0x5FFFF;
	_ =	strace $0x90000046  }
0xb2: {  	s29 =	simm.s32 $0x9;
	_ =	strace $0x80000048  }
0xb3: {  	_ =	swait.ge [sflag:s29], $0x1  }
0xb4: {  	[sflag:s29] =	ssyncadd.s32 $0xFFFFFFFF  }
0xb5: {  	_ =	strace $0x90000048  }
0xb6: {  	_ =	sfence  }
0xb7: {  	s30 =	sld [smem:$0x0];
	_ =	sdelay $0x2  }
0xb8: {  	s31 =	sshll.u32 s1, $0xD;
	s1 =	sshrl.u32 s1, $0x2  }
0xb9: {  	s3 =	sand.u32 $0x4000, s31;
	s1 =	sadd.s32 s1, s30  }
0xba: {  	s0 =	sor.u32 s3, s0;
	s1 =	sshll.u32 s1, $0x11  }
0xbb: {  	s0 =	sor.u32 s1, s0  }
0xbc: {  	s0 =	sadd.s32 $0x8F2B, s0  }
0xbd: {  	[sflag:s0] =	ssyncadd.remote.s32 $0x1  }
0xbe: {  	_ =	sfence.sel $0xFFFF  }
0xbf: {  	[dreg:$0x0] =	wrdreg $0xFFFFFFFF;
	(pc) =	sbr.abs _section_cstart, $3  }
0xc0: {  	[dreg:$0x1] =	wrdreg $0xFFFFFFFF  }
0xc1: {  	_ =	task.clear_ibuf [dreg:s7], $0x2FFFF;
	_ =	strace $0x9FFFFFFF  }
0xc2: {  	(tm) =	ssettm $0x7FFFFFFF  }
0xc3: {  	_ =	shalt  }
tec
execute0_lowered:
.L_overlay_start_1:
0x0: {  	(tag) =	ssettag $0x1  }
0x1: {  	s2 =	rddreg [dreg:$0x0]  }
0x2: {  	s5 =	rddreg [dreg:$0x1];
	s3 =	srdreg.scid  }
0x3: {  	s0 =	rddreg [dreg:$0x2];
	s1 =	stileid.u32;
	s9 =	simm.s32 $0x8000  }
0x4: {  	s10 =	simm.s32 $0x2;
	s11 =	simm.s32 $0x10000;
	s12 =	simm.s32 $0x3  }
0x5: {  	s13 =	simm.s32 $0x0;
	s6 =	sand.u32 $0x1, s3;
	s3 =	simm.s32 $0x0  }
0x6: {  	s4 =	sshll.u32 s1, $0xB;
	s7 =	sshll.u32 s6, $0xA;
	s6 =	ssub.s32 $0x2, s6  }
0x7: {  	[smem:$0x7FF] =	sst s3;
	s4 =	sor.u32 s7, s4;
	s8 =	sshrl.u32 s6, $0x1  }
0x8: {  	_ =	strace $0x80000047;
	s7 =	sshrl.u32 s4, $0x3;
	s8 =	ssub.s32 s6, s8  }
0x9: {  	s31 =	sshll.u32 s4, $0x8;
	s6 =	sor.u32 $0x20, s4;
	s7 =	sadd.s32 s7, s5  }
0xa: {  	vm0 =	vcmask $0x3F3C;
	s5 =	sadd.s32 s2, s31;
	s8 =	smax.u32 s8, $0x1;
	s7 =	sadd.s32 $0x400, s7  }
.LBB2_1:
0xb: {  	[tilespmem:s3], [sflag:$0x1] =	stream.linear.gather [hbm4b:s5+s3], $0x8000, $0x38;
	[tilespmem:$0x10480] =	vst v63  }
0xc: {  	s14 =	simm.s32 $0x0  }
.LBB2_2:
0xd: {  	s15 =	sshll.u32 s14, $0x5  }
0xe: {  	s17 =	simm.s32 $0x1;
	s16 =	sor.u32 $0x10, s15  }
0xf: {  	_ =	swait.ge [sflag:s17], $0x8000;
	s18 =	sadd.s32 s4, s16  }
0x10: {  	[sflag:s17] =	ssyncset.done $0x0;
	s18 =	sshll.u32 s18, $0x8  }
0x11: {  	[sflag:s17] =	ssyncadd.s32 $0xFFFF8000;
	s18 =	sadd.s32 s2, s18  }
0x12: {  	[tilespmem:s9], [sflag:$0x2] =	stream.linear.gather [hbm4b:s18+s3], $0x8000, $0x38;
	[tilespmem:$0x10480] =	vst v63  }
0x13: {  	v0 =	vld [tilespmem:$0x0]  }
0x14: {  	v1 =	vld [tilespmem:$0x80]  }
0x15: {  	v2 =	vld [tilespmem:$0x100]  }
0x16: {  	v3 =	vld [tilespmem:$0x180]  }
0x17: {  	v4 =	vld [tilespmem:$0x200]  }
0x18: {  	(xrf1) =	vsort.ascd.msk.f32 $0xffff, v0, v0;
	v0 =	vld [tilespmem:$0x280]  }
0x19: {  	(xrf1) =	vsort.ascd.msk.f32 $0xffff, v1, v1;
	v1 =	vld [tilespmem:$0x300]  }
0x1a: {  	(xrf1) =	vsort.ascd.msk.f32 $0xffff, v2, v2;
	v2 =	vld [tilespmem:$0x380]  }
0x1b: {  	(xrf1) =	vsort.ascd.msk.f32 $0xffff, v3, v3;
	v3 =	vld [tilespmem:$0x4000]  }
0x1c: {  	(xrf1) =	vsort.ascd.msk.f32 $0xffff, v4, v4;
	v4 =	vld [tilespmem:$0x4080]  }
0x1d: {  	(xrf1) =	vsort.ascd.msk.f32 $0xffff, v0, v0;
	v0 =	vld [tilespmem:$0x4100]  }
0x1e: {  	(xrf1) =	vsort.ascd.msk.f32 $0xffff, v1, v1;
	v1 =	vld [tilespmem:$0x4180]  }
0x1f: {  	(xrf1) =	vsort.ascd.msk.f32 $0xffff, v2, v2;
	v2 =	vld [tilespmem:$0x4200]  }
0x20: {  	s28 =	simm.s32 $0x10;
	s19 =	simm.s32 $0x80;
	(xrf1) =	vsort.ascd.msk.f32 $0xffff, v3, v3;
	v3 =	vld [tilespmem:$0x4280]  }
0x21: {  	s19 =	sand.u32 $0x3C00, s19;
	s18 =	sand.u32 $0x70, s28;
	(xrf1) =	vsort.ascd.msk.f32 $0xffff, v4, v4;
	v4 =	vld [tilespmem:$0x4300]  }
0x22: {  	s18 =	sor.u32 s18, s19;
	(xrf1) =	vsort.ascd.msk.f32 $0xffff, v0, v0;
	v0 =	vld [tilespmem:$0x4380]  }
0x23: {  	(xrf1) =	vsort.ascd.msk.f32 $0xffff, v1, v1;
	v1 =	vld [tilespmem:s18+$0x0]  }
0x24: {  	(xrf1) =	vsort.ascd.msk.f32 $0xffff, v2, v2;
	v2 =	vld [tilespmem:s18+$0x80]  }
0x25: {  	(xrf1) =	vsort.ascd.msk.f32 $0xffff, v3, v3  }
0x26: {  	v3 =	vld [tilespmem:s18+$0x100];
	v5, _, _ =	vpop (xrf1);
	(xrf1) =	vsort.ascd.msk.f32 $0xffff, v4, v4  }
0x27: {  	s17 =	sand.u32 $0x7, s17;
	v4 =	vld [tilespmem:s18+$0x180];
	v6, _, _ =	vpop (xrf1);
	(xrf1) =	vsort.ascd.msk.f32 $0xffff, v0, v0  }
0x28: {  	s17 =	sshll.u32 s17, $0x4;
	v0 =	vld [tilespmem:s18+$0x200];
	v7, _, _ =	vpop (xrf1);
	(xrf1) =	vsort.dscd.msk.f32 $0xffff, v1, v1  }
0x29: {  	s17 =	sadd.s32 $0x80, s17;
	v8 =	vld [tilespmem:s18+$0x280];
	v1, _, _ =	vpop (xrf1);
	(xrf1) =	vsort.dscd.msk.f32 $0xffff, v2, v2  }
0x2a: {  	s17 =	sor.u32 $0x380, s17;
	v9 =	vld [tilespmem:s18+$0x300];
	v2, _, _ =	vpop (xrf1)  }
0x2b: {  	v10 =	vld [tilespmem:s17+$0x0];
	(xrf1) =	vsort.dscd.msk.f32 $0xffff, v3, v3;
	v3, _, _ =	vpop (xrf1)  }
0x2c: {  	v11 =	vld [tilespmem:s18+$0x4000];
	(xrf1) =	vsort.dscd.msk.f32 $0xffff, v4, v4;
	v4, _, _ =	vpop (xrf1)  }
0x2d: {  	v12 =	vld [tilespmem:s18+$0x4080];
	(xrf1) =	vsort.dscd.msk.f32 $0xffff, v0, v0;
	v0, _, _ =	vpop (xrf1)  }
0x2e: {  	v13 =	vld [tilespmem:s18+$0x4100];
	(xrf1) =	vsort.dscd.msk.f32 $0xffff, v8, v8;
	v8, _, _ =	vpop (xrf1)  }
0x2f: {  	v14 =	vld [tilespmem:s18+$0x4180];
	(xrf1) =	vsort.dscd.msk.f32 $0xffff, v9, v9;
	v9, _, _ =	vpop (xrf1)  }
0x30: {  	v15 =	vld [tilespmem:s18+$0x4200];
	(xrf1) =	vsort.dscd.msk.f32 $0xffff, v10, v10;
	v10, _, _ =	vpop (xrf1)  }
0x31: {  	(xrf1) =	vsort.dscd.msk.f32 $0xffff, v11, v11;
	v11, _, _ =	vpop (xrf1)  }
0x32: {  	v16 =	vld [tilespmem:s18+$0x4280];
	(xrf1) =	vsort.dscd.msk.f32 $0xffff, v12, v12;
	v12, _, _ =	vpop (xrf1)  }
0x33: {  	v17 =	vld [tilespmem:s18+$0x4300];
	(xrf1) =	vsort.dscd.msk.f32 $0xffff, v13, v13;
	v13, _, _ =	vpop (xrf1)  }
0x34: {  	v18 =	vld [tilespmem:s18+$0x4380];
	(xrf1) =	vsort.dscd.msk.f32 $0xffff, v14, v14;
	v14, _, _ =	vpop (xrf1)  }
0x35: {  	(xrf1) =	vsort.dscd.msk.f32 $0xffff, v15, v15;
	v15, _, _ =	vpop (xrf1)  }
0x36: {  	v62, _, _ =	vpop (xrf1)  }
0x37: {  	(xrf1) =	vsort.dscd.msk.f32 $0xffff, v16, v16;
	v5 =	vmax.f32 v5, v62;
	v63, _, _ =	vpop (xrf1)  }
0x38: {  	(xrf1) =	vsort.dscd.msk.f32 $0xffff, v17, v17;
	v6 =	vmax.f32 v6, v63  }
0x39: {  	(xrf1) =	vsort.dscd.msk.f32 $0xffff, v18, v18  }
0x3a: {  	(xrf1) =	vsort.ascd.msk.f32 $0xffff, v5, v5;
	v5, _, _ =	vpop (xrf1)  }
0x3b: {  	(xrf1) =	vsort.ascd.msk.f32 $0xffff, v6, v6;
	v5 =	vmax.f32 v7, v5;
	v6, _, _ =	vpop (xrf1)  }
0x3c: {  	v1 =	vmax.f32 v1, v6;
	_ =	sdelay $0x1  }
0x3d: {  	(xrf1) =	vsort.ascd.msk.f32 $0xffff, v5, v5;
	v5, _, _ =	vpop (xrf1)  }
0x3e: {  	(xrf1) =	vsort.ascd.msk.f32 $0xffff, v1, v1;
	v2 =	vmax.f32 v2, v5;
	v1, _, _ =	vpop (xrf1)  }
0x3f: {  	v1 =	vmax.f32 v3, v1;
	_ =	sdelay $0x1  }
0x40: {  	(xrf1) =	vsort.ascd.msk.f32 $0xffff, v2, v2;
	v2, _, _ =	vpop (xrf1)  }
0x41: {  	(xrf1) =	vsort.ascd.msk.f32 $0xffff, v1, v1;
	v1, _, _ =	vpop (xrf1)  }
0x42: {  	v0 =	vmax.f32 v0, v1  }
0x43: {  	v2 =	vmax.f32 v4, v2;
	v1, _, _ =	vpop (xrf1)  }
0x44: {  	(xrf1) =	vsort.ascd.msk.f32 $0xffff, v2, v2;
	v1 =	vmax.f32 v8, v1  }
0x45: {  	(xrf1) =	vsort.ascd.msk.f32 $0xffff, v0, v0;
	v0, _, _ =	vpop (xrf1)  }
0x46: {  	v0 =	vmax.f32 v9, v0  }
0x47: {  	(xrf1) =	vsort.ascd.msk.f32 $0xffff, v1, v1;
	v1, _, _ =	vpop (xrf1)  }
0x48: {  	v1 =	vmax.f32 v10, v1  }
0x49: {  	(xrf1) =	vsort.ascd.msk.f32 $0xffff, v0, v0;
	v0, _, _ =	vpop (xrf1)  }
0x4a: {  	v0 =	vmax.f32 v11, v0  }
0x4b: {  	(xrf1) =	vsort.ascd.msk.f32 $0xffff, v1, v1;
	v1, _, _ =	vpop (xrf1)  }
0x4c: {  	s29 =	simm.s32 $0x20;
	s17 =	simm.s32 $0x100;
	v1 =	vmax.f32 v12, v1  }
0x4d: {  	s30 =	sand.u32 $0x3C00, s17;
	s18 =	sand.u32 $0x70, s29;
	(xrf1) =	vsort.ascd.msk.f32 $0xffff, v0, v0;
	v0, _, _ =	vpop (xrf1)  }
0x4e: {  	s20 =	sor.u32 s18, s30;
	v0 =	vmax.f32 v13, v0  }
0x4f: {  	v2 =	vld [tilespmem:s20+$0x0];
	(xrf1) =	vsort.ascd.msk.f32 $0xffff, v1, v1;
	v1, _, _ =	vpop (xrf1)  }
0x50: {  	v3 =	vld [tilespmem:s20+$0x80];
	v1 =	vmax.f32 v14, v1  }
0x51: {  	s18 =	simm.s32 $0x2;
	v4 =	vld [tilespmem:s20+$0x100];
	(xrf1) =	vsort.ascd.msk.f32 $0xffff, v0, v0;
	v0, _, _ =	vpop (xrf1)  }
0x52: {  	s31 =	sand.u32 $0x7, s18;
	v5 =	vld [tilespmem:s20+$0x180];
	(xrf1) =	vsort.ascd.msk.f32 $0xffff, v1, v1;
	v6 =	vmax.f32 v15, v0;
	v0, _, _ =	vpop (xrf1)  }
0x53: {  	s19 =	sshll.u32 s31, $0x4;
	v7 =	vld [tilespmem:s20+$0x200];
	v1, _, _ =	vpop (xrf1);
	(xrf1) =	vsort.ascd.msk.f32 $0xffff, v6, v6  }
0x54: {  	s19 =	sadd.s32 $0x100, s19;
	v8 =	vld [tilespmem:s20+$0x280];
	(xrf1) =	vsort.dscd.msk.f32 $0xffff, v2, v2;
	v2, _, _ =	vpop (xrf1)  }
0x55: {  	s19 =	sor.u32 $0x380, s19;
	v14 =	vld [tilespmem:s20+$0x300];
	(xrf1) =	vsort.dscd.msk.f32 $0xffff, v3, v3;
	v3, _, _ =	vpop (xrf1)  }
0x56: {  	v9 =	vld [tilespmem:s19+$0x0];
	(xrf1) =	vsort.dscd.msk.f32 $0xffff, v4, v4;
	v4, _, _ =	vpop (xrf1)  }
0x57: {  	v10 =	vld [tilespmem:s20+$0x4000];
	(xrf1) =	vsort.dscd.msk.f32 $0xffff, v5, v5;
	v5, _, _ =	vpop (xrf1)  }
0x58: {  	v11 =	vld [tilespmem:s20+$0x4080];
	(xrf1) =	vsort.dscd.msk.f32 $0xffff, v7, v7;
	v6, _, _ =	vpop (xrf1)  }
0x59: {  	v12 =	vld [tilespmem:s20+$0x4100];
	(xrf1) =	vsort.dscd.msk.f32 $0xffff, v8, v8;
	v7, _, _ =	vpop (xrf1)  }
0x5a: {  	s19 =	simm.s32 $0x30;
	v13 =	vld [tilespmem:s20+$0x4180];
	(xrf1) =	vsort.dscd.msk.f32 $0xffff, v14, v14;
	v8, _, _ =	vpop (xrf1)  }
.LBB2_3:
0x5b: {  	p0 =	sne.s32 s19, $0x7F0;
	v14 =	vld [tilespmem:s20+$0x4200];
	(xrf1) =	vsort.dscd.msk.f32 $0xffff, v9, v9;
	v9, _, _ =	vpop (xrf1)  }
0x5c: {  	v15 =	vld [tilespmem:s20+$0x4280];
	(xrf1) =	vsort.dscd.msk.f32 $0xffff, v10, v10;
	v10, _, _ =	vpop (xrf1)  }
0x5d: {  	v16 =	vld [tilespmem:s20+$0x4300];
	(xrf1) =	vsort.dscd.msk.f32 $0xffff, v11, v11;
	v11, _, _ =	vpop (xrf1)  }
0x5e: {  	v17 =	vld [tilespmem:s20+$0x4380];
	(xrf1) =	vsort.dscd.msk.f32 $0xffff, v12, v12;
	v12, _, _ =	vpop (xrf1)  }
0x5f: {  	(xrf1) =	vsort.dscd.msk.f32 $0xffff, v13, v13;
	v13, _, _ =	vpop (xrf1)  }
0x60: {  	(xrf1) =	vsort.dscd.msk.f32 $0xffff, v14, v14;
	v14, _, _ =	vpop (xrf1)  }
0x61: {  	(xrf1) =	vsort.dscd.msk.f32 $0xffff, v15, v15;
	v15, _, _ =	vpop (xrf1)  }
0x62: {  	v18, _, _ =	vpop (xrf1);
	(xrf1) =	vsort.dscd.msk.f32 $0xffff, v16, v16  }
0x63: {  	v18 =	vmax.f32 v0, v18;
	v16, _, _ =	vpop (xrf1);
	(xrf1) =	vsort.dscd.msk.f32 $0xffff, v17, v17  }
0x64: {  	v16 =	vmax.f32 v1, v16;
	(xrf1) =	vsort.ascd.msk.f32 $0xffff, v18, v18;
	v0, _, _ =	vpop (xrf1)  }
0x65: {  	v2 =	vmax.f32 v2, v0;
	(xrf1) =	vsort.ascd.msk.f32 $0xffff, v16, v16;
	v1, _, _ =	vpop (xrf1)  }
0x66: {  	v3 =	vmax.f32 v3, v1;
	(xrf1) =	vsort.ascd.msk.f32 $0xffff, v2, v2;
	v0, _, _ =	vpop (xrf1)  }
0x67: {  	v2 =	vmax.f32 v4, v0;
	(xrf1) =	vsort.ascd.msk.f32 $0xffff, v3, v3;
	v1, _, _ =	vpop (xrf1)  }
0x68: {  	v3 =	vmax.f32 v5, v1;
	(xrf1) =	vsort.ascd.msk.f32 $0xffff, v2, v2;
	v0, _, _ =	vpop (xrf1)  }
0x69: {  	v2 =	vmax.f32 v6, v0;
	(xrf1) =	vsort.ascd.msk.f32 $0xffff, v3, v3;
	v1, _, _ =	vpop (xrf1)  }
0x6a: {  	v3 =	vmax.f32 v7, v1;
	(xrf1) =	vsort.ascd.msk.f32 $0xffff, v2, v2;
	v0, _, _ =	vpop (xrf1)  }
0x6b: {  	v2 =	vmax.f32 v8, v0;
	(xrf1) =	vsort.ascd.msk.f32 $0xffff, v3, v3;
	v1, _, _ =	vpop (xrf1)  }
0x6c: {  	s17 =	sadd.s32 $0x80, s17;
	v3 =	vmax.f32 v9, v1;
	(xrf1) =	vsort.ascd.msk.f32 $0xffff, v2, v2;
	v0, _, _ =	vpop (xrf1)  }
0x6d: {  	s21 =	sand.u32 $0x3C00, s17;
	s20 =	sand.u32 $0x70, s19;
	v2 =	vmax.f32 v10, v0;
	(xrf1) =	vsort.ascd.msk.f32 $0xffff, v3, v3;
	v1, _, _ =	vpop (xrf1)  }
0x6e: {  	s20 =	sor.u32 s20, s21;
	v3 =	vmax.f32 v11, v1;
	(xrf1) =	vsort.ascd.msk.f32 $0xffff, v2, v2;
	v0, _, _ =	vpop (xrf1)  }
0x6f: {  	v2 =	vld [tilespmem:s20+$0x0];
	v4 =	vmax.f32 v12, v0;
	(xrf1) =	vsort.ascd.msk.f32 $0xffff, v3, v3;
	v1, _, _ =	vpop (xrf1)  }
0x70: {  	v3 =	vld [tilespmem:s20+$0x80];
	v1 =	vmax.f32 v13, v1;
	(xrf1) =	vsort.ascd.msk.f32 $0xffff, v4, v4;
	v0, _, _ =	vpop (xrf1)  }
0x71: {  	s18 =	sadd.s32 $0x1, s18;
	v4 =	vld [tilespmem:s20+$0x100];
	v5 =	vmax.f32 v14, v0;
	(xrf1) =	vsort.ascd.msk.f32 $0xffff, v1, v1;
	v0, _, _ =	vpop (xrf1)  }
0x72: {  	s21 =	sand.u32 $0x7, s18;
	v6 =	vld [tilespmem:s20+$0x180];
	v7 =	vmax.f32 v15, v0;
	v0, _, _ =	vpop (xrf1);
	(xrf1) =	vsort.ascd.msk.f32 $0xffff, v5, v5  }
0x73: {  	s21 =	sshll.u32 s21, $0x4;
	v8 =	vld [tilespmem:s20+$0x200];
	v1, _, _ =	vpop (xrf1);
	(xrf1) =	vsort.ascd.msk.f32 $0xffff, v7, v7  }
0x74: {  	s21 =	sadd.s32 s21, s17;
	v7 =	vld [tilespmem:s20+$0x280];
	(xrf1) =	vsort.dscd.msk.f32 $0xffff, v2, v2;
	v2, _, _ =	vpop (xrf1)  }
0x75: {  	s21 =	sor.u32 $0x380, s21;
	v14 =	vld [tilespmem:s20+$0x300];
	(xrf1) =	vsort.dscd.msk.f32 $0xffff, v3, v3;
	v3, _, _ =	vpop (xrf1)  }
.Ltmp0:
0x76: {  	v9 =	vld [tilespmem:s21+$0x0];
	(xrf1) =	vsort.dscd.msk.f32 $0xffff, v4, v4;
	v4, _, _ =	vpop (xrf1);
	(pc) =	sbr.rel @p0 .LBB2_3-.Ltmp0, $4  }
0x77: {  	v10 =	vld [tilespmem:s20+$0x4000];
	(xrf1) =	vsort.dscd.msk.f32 $0xffff, v6, v6;
	v5, _, _ =	vpop (xrf1)  }
0x78: {  	v11 =	vld [tilespmem:s20+$0x4080];
	(xrf1) =	vsort.dscd.msk.f32 $0xffff, v8, v8;
	v6, _, _ =	vpop (xrf1)  }
0x79: {  	v12 =	vld [tilespmem:s20+$0x4100];
	(xrf1) =	vsort.dscd.msk.f32 $0xffff, v7, v7;
	v7, _, _ =	vpop (xrf1)  }
0x7a: {  	s19 =	sadd.s32 $0x10, s19;
	v13 =	vld [tilespmem:s20+$0x4180];
	(xrf1) =	vsort.dscd.msk.f32 $0xffff, v14, v14;
	v8, _, _ =	vpop (xrf1)  }
0x7b: {  	v14 =	vld [tilespmem:s20+$0x4200];
	(xrf1) =	vsort.dscd.msk.f32 $0xffff, v9, v9;
	v9, _, _ =	vpop (xrf1)  }
0x7c: {  	v15 =	vld [tilespmem:s20+$0x4280];
	(xrf1) =	vsort.dscd.msk.f32 $0xffff, v10, v10;
	v10, _, _ =	vpop (xrf1)  }
0x7d: {  	(xrf1) =	vsort.dscd.msk.f32 $0xffff, v11, v11;
	v11, _, _ =	vpop (xrf1)  }
0x7e: {  	(xrf1) =	vsort.dscd.msk.f32 $0xffff, v12, v12;
	v12, _, _ =	vpop (xrf1)  }
0x7f: {  	v16 =	vld [tilespmem:s20+$0x4300];
	(xrf1) =	vsort.dscd.msk.f32 $0xffff, v13, v13;
	v13, _, _ =	vpop (xrf1)  }
0x80: {  	v17 =	vld [tilespmem:s20+$0x4380];
	(xrf1) =	vsort.dscd.msk.f32 $0xffff, v14, v14;
	v14, _, _ =	vpop (xrf1)  }
0x81: {  	(xrf1) =	vsort.dscd.msk.f32 $0xffff, v15, v15;
	v15, _, _ =	vpop (xrf1)  }
0x82: {  	v18, _, _ =	vpop (xrf1)  }
0x83: {  	v0 =	vmax.f32 v0, v18;
	v58, _, _ =	vpop (xrf1)  }
0x84: {  	(xrf1) =	vsort.dscd.msk.f32 $0xffff, v16, v16;
	v1 =	vmax.f32 v1, v58  }
0x85: {  	(xrf1) =	vsort.dscd.msk.f32 $0xffff, v17, v17  }
0x86: {  	(xrf1) =	vsort.ascd.msk.f32 $0xffff, v0, v0;
	v0, _, _ =	vpop (xrf1)  }
0x87: {  	(xrf1) =	vsort.ascd.msk.f32 $0xffff, v1, v1;
	v0 =	vmax.f32 v2, v0;
	v1, _, _ =	vpop (xrf1)  }
0x88: {  	v1 =	vmax.f32 v3, v1;
	_ =	sdelay $0x1  }
0x89: {  	(xrf1) =	vsort.ascd.msk.f32 $0xffff, v0, v0;
	v0, _, _ =	vpop (xrf1)  }
0x8a: {  	(xrf1) =	vsort.ascd.msk.f32 $0xffff, v1, v1;
	v0 =	vmax.f32 v4, v0;
	v1, _, _ =	vpop (xrf1)  }
0x8b: {  	v1 =	vmax.f32 v5, v1;
	_ =	sdelay $0x1  }
0x8c: {  	(xrf1) =	vsort.ascd.msk.f32 $0xffff, v0, v0;
	v0, _, _ =	vpop (xrf1)  }
0x8d: {  	(xrf1) =	vsort.ascd.msk.f32 $0xffff, v1, v1;
	v0 =	vmax.f32 v6, v0;
	v1, _, _ =	vpop (xrf1)  }
0x8e: {  	v1 =	vmax.f32 v7, v1;
	_ =	sdelay $0x1  }
0x8f: {  	(xrf1) =	vsort.ascd.msk.f32 $0xffff, v0, v0;
	v0, _, _ =	vpop (xrf1)  }
0x90: {  	(xrf1) =	vsort.ascd.msk.f32 $0xffff, v1, v1;
	v0 =	vmax.f32 v8, v0;
	v1, _, _ =	vpop (xrf1)  }
0x91: {  	v1 =	vmax.f32 v9, v1;
	_ =	sdelay $0x1  }
0x92: {  	(xrf1) =	vsort.ascd.msk.f32 $0xffff, v0, v0;
	v0, _, _ =	vpop (xrf1)  }
0x93: {  	(xrf1) =	vsort.ascd.msk.f32 $0xffff, v1, v1;
	v0 =	vmax.f32 v10, v0;
	v1, _, _ =	vpop (xrf1)  }
0x94: {  	v1 =	vmax.f32 v11, v1;
	_ =	sdelay $0x1  }
0x95: {  	(xrf1) =	vsort.ascd.msk.f32 $0xffff, v0, v0;
	v0, _, _ =	vpop (xrf1)  }
0x96: {  	(xrf1) =	vsort.ascd.msk.f32 $0xffff, v1, v1;
	v0 =	vmax.f32 v12, v0;
	v1, _, _ =	vpop (xrf1)  }
0x97: {  	v1 =	vmax.f32 v13, v1;
	_ =	sdelay $0x1  }
0x98: {  	(xrf1) =	vsort.ascd.msk.f32 $0xffff, v0, v0;
	v0, _, _ =	vpop (xrf1)  }
0x99: {  	(xrf1) =	vsort.ascd.msk.f32 $0xffff, v1, v1;
	v0 =	vmax.f32 v14, v0;
	v1, _, _ =	vpop (xrf1)  }
0x9a: {  	v1 =	vmax.f32 v15, v1  }
0x9b: {  	v2, _, _ =	vpop (xrf1);
	(xrf1) =	vsort.ascd.msk.f32 $0xffff, v0, v0  }
0x9c: {  	(xrf2) =	vadd.scan.msk.f32 $0xffff, v2;
	v0, _, _ =	vpop (xrf1)  }
0x9d: {  	(xrf1) =	vsort.ascd.msk.f32 $0xffff, v1, v1;
	v1, _, _ =	vpop (xrf1)  }
0x9e: {  	(xrf2) =	vadd.scan.msk.f32 $0xffff, v0;
	v3, _, _ =	vpop (xrf1)  }
0x9f: {  	(xrf2) =	vadd.scan.msk.f32 $0xffff, v1;
	v4, _, _ =	vpop (xrf1)  }
0xa0: {  	(xrf2) =	vadd.scan.msk.f32 $0xffff, v3;
	v5, _, _ =	vpop (xrf1)  }
0xa1: {  	(xrf2) =	vadd.scan.msk.f32 $0xffff, v4;
	v6, _, _ =	vpop (xrf1)  }
0xa2: {  	(xrf2) =	vadd.scan.msk.f32 $0xffff, v5;
	v2, _, _ =	vpop (xrf1)  }
0xa3: {  	(xrf2) =	vadd.scan.msk.f32 $0xffff, v6;
	v0, _, _ =	vpop (xrf1)  }
0xa4: {  	(xrf2) =	vadd.scan.msk.f32 $0xffff, v2;
	v1, _, _ =	vpop (xrf1)  }
0xa5: {  	(xrf2) =	vadd.scan.msk.f32 $0xffff, v0;
	v3, _, _ =	vpop (xrf1)  }
0xa6: {  	(xrf2) =	vadd.scan.msk.f32 $0xffff, v1;
	v1, _, _ =	vpop (xrf2)  }
0xa7: {  	v4, _, _ =	vpop (xrf1)  }
0xa8: {  	v5, _, _ =	vpop (xrf1)  }
0xa9: {  	(xrf2) =	vadd.scan.msk.f32 $0xffff, v3;
	v3, _, _ =	vpop (xrf2)  }
0xaa: {  	v6, _, _ =	vpop (xrf1)  }
0xab: {  	v1 =	vmul.f32 $6.250000000e-02, v1;
	(xrf2) =	vadd.scan.msk.f32 $0xffff, v4;
	v4, _, _ =	vpop (xrf2)  }
0xac: {  	v3 =	vmul.f32 $6.250000000e-02, v3;
	v2, _, _ =	vpop (xrf1)  }
0xad: {  	(xrf2) =	vadd.scan.msk.f32 $0xffff, v5;
	[tilespmem:s15+$0x10000] =	vst.msk vm0, v1;
	v1 =	vmul.f32 $6.250000000e-02, v4;
	v4, _, _ =	vpop (xrf2)  }
0xae: {  	(xrf2) =	vadd.scan.msk.f32 $0xffff, v6;
	[tilespmem:s15+$0x10001] =	vst.msk vm0, v3;
	v3 =	vmul.f32 $6.250000000e-02, v4;
	v4, _, _ =	vpop (xrf2)  }
0xaf: {  	v0, _, _ =	vpop (xrf1);
	(xrf2) =	vadd.scan.msk.f32 $0xffff, v2;
	[tilespmem:s15+$0x10002] =	vst.msk vm0, v1;
	v1 =	vmul.f32 $6.250000000e-02, v4  }
0xb0: {  	v2, _, _ =	vpop (xrf2);
	(xrf2) =	vadd.scan.msk.f32 $0xffff, v0  }
0xb1: {  	v0, _, _ =	vpop (xrf2);
	[tilespmem:s15+$0x10003] =	vst.msk vm0, v3;
	v2 =	vmul.f32 $6.250000000e-02, v2  }
0xb2: {  	[tilespmem:s15+$0x10004] =	vst.msk vm0, v1;
	v0 =	vmul.f32 $6.250000000e-02, v0;
	v3, _, _ =	vpop (xrf2)  }
0xb3: {  	[tilespmem:s15+$0x10005] =	vst.msk vm0, v2;
	v1, _, _ =	vpop (xrf2);
	v2 =	vmul.f32 $6.250000000e-02, v3  }
0xb4: {  	[tilespmem:s15+$0x10006] =	vst.msk vm0, v0;
	v3, _, _ =	vpop (xrf2);
	v0 =	vmul.f32 $6.250000000e-02, v1  }
0xb5: {  	v1, _, _ =	vpop (xrf2);
	[tilespmem:s15+$0x10007] =	vst.msk vm0, v2;
	v2 =	vmul.f32 $6.250000000e-02, v3  }
0xb6: {  	v3, _, _ =	vpop (xrf2);
	[tilespmem:s15+$0x10008] =	vst.msk vm0, v0;
	v0 =	vmul.f32 $6.250000000e-02, v1  }
0xb7: {  	v1, _, _ =	vpop (xrf2);
	[tilespmem:s15+$0x10009] =	vst.msk vm0, v2;
	v2 =	vmul.f32 $6.250000000e-02, v3  }
0xb8: {  	v3, _, _ =	vpop (xrf2);
	[tilespmem:s15+$0x1000A] =	vst.msk vm0, v0;
	v0 =	vmul.f32 $6.250000000e-02, v1  }
0xb9: {  	v1, _, _ =	vpop (xrf2);
	[tilespmem:s15+$0x1000B] =	vst.msk vm0, v2;
	v2 =	vmul.f32 $6.250000000e-02, v3  }
0xba: {  	[tilespmem:s15+$0x1000C] =	vst.msk vm0, v0;
	v0 =	vmul.f32 $6.250000000e-02, v1;
	v1, _, _ =	vpop (xrf2)  }
0xbb: {  	[tilespmem:s15+$0x1000D] =	vst.msk vm0, v2;
	v1 =	vmul.f32 $6.250000000e-02, v1  }
0xbc: {  	[tilespmem:s15+$0x1000E] =	vst.msk vm0, v0  }
0xbd: {  	p0 =	seq.s32 s14, $0x1F;
	[tilespmem:s15+$0x1000F] =	vst.msk vm0, v1  }
0xbe: {  	s17 =	sadd.s32 @!p0 s15, s6;
	_ =	swait.ge [sflag:s10], $0x8000  }
0xbf: {  	s17 =	sshll.u32 @!p0 s17, $0x8;
	[sflag:s10] =	ssyncset.done $0x0  }
0xc0: {  	s18 =	simm.s32 @!p0 $0x0;
	s17 =	sadd.s32 @!p0 s2, s17;
	[sflag:s10] =	ssyncadd.s32 $0xFFFF8000  }
0xc1: {  	[tilespmem:s18], [sflag:$0x1] =	stream.linear.gather @!p0 [hbm4b:s17+s18], $0x8000, $0x38;
	[tilespmem:$0x10480] =	vst v63  }
0xc2: {  	v0 =	vld [tilespmem:$0x8000]  }
0xc3: {  	v1 =	vld [tilespmem:$0x8080]  }
0xc4: {  	v2 =	vld [tilespmem:$0x8100]  }
0xc5: {  	v3 =	vld [tilespmem:$0x8180]  }
0xc6: {  	v4 =	vld [tilespmem:$0x8200]  }
0xc7: {  	(xrf1) =	vsort.ascd.msk.f32 $0xffff, v0, v0;
	v0 =	vld [tilespmem:$0x8280]  }
0xc8: {  	(xrf1) =	vsort.ascd.msk.f32 $0xffff, v1, v1;
	v1 =	vld [tilespmem:$0x8300]  }
0xc9: {  	(xrf1) =	vsort.ascd.msk.f32 $0xffff, v2, v2;
	v2 =	vld [tilespmem:$0x8380]  }
0xca: {  	(xrf1) =	vsort.ascd.msk.f32 $0xffff, v3, v3;
	v3 =	vld [tilespmem:$0xC000]  }
0xcb: {  	(xrf1) =	vsort.ascd.msk.f32 $0xffff, v4, v4;
	v4 =	vld [tilespmem:$0xC080]  }
0xcc: {  	(xrf1) =	vsort.ascd.msk.f32 $0xffff, v0, v0;
	v0 =	vld [tilespmem:$0xC100]  }
0xcd: {  	(xrf1) =	vsort.ascd.msk.f32 $0xffff, v1, v1;
	v1 =	vld [tilespmem:$0xC180]  }
0xce: {  	(xrf1) =	vsort.ascd.msk.f32 $0xffff, v2, v2;
	v2 =	vld [tilespmem:$0xC200]  }
0xcf: {  	s26 =	simm.s32 $0x10;
	s28 =	simm.s32 $0x80;
	(xrf1) =	vsort.ascd.msk.f32 $0xffff, v3, v3;
	v3 =	vld [tilespmem:$0xC280]  }
0xd0: {  	s17 =	sand.u32 $0x70, s26;
	s18 =	sand.u32 $0x3C00, s28;
	(xrf1) =	vsort.ascd.msk.f32 $0xffff, v4, v4;
	v4 =	vld [tilespmem:$0xC300]  }
0xd1: {  	s17 =	sor.u32 s17, s18;
	(xrf1) =	vsort.ascd.msk.f32 $0xffff, v0, v0;
	v0 =	vld [tilespmem:$0xC380]  }
0xd2: {  	(xrf1) =	vsort.ascd.msk.f32 $0xffff, v1, v1;
	v1 =	vld [tilespmem:s17+$0x8000]  }
0xd3: {  	(xrf1) =	vsort.ascd.msk.f32 $0xffff, v2, v2;
	v2 =	vld [tilespmem:s17+$0x8080]  }
0xd4: {  	(xrf1) =	vsort.ascd.msk.f32 $0xffff, v3, v3  }
0xd5: {  	s29 =	simm.s32 $0x1;
	v3 =	vld [tilespmem:s17+$0x8100];
	v5, _, _ =	vpop (xrf1);
	(xrf1) =	vsort.ascd.msk.f32 $0xffff, v4, v4  }
0xd6: {  	s18 =	sand.u32 $0x7, s29;
	v4 =	vld [tilespmem:s17+$0x8180];
	v6, _, _ =	vpop (xrf1);
	(xrf1) =	vsort.ascd.msk.f32 $0xffff, v0, v0  }
0xd7: {  	s18 =	sshll.u32 s18, $0x4;
	v0 =	vld [tilespmem:s17+$0x8200];
	v7, _, _ =	vpop (xrf1);
	(xrf1) =	vsort.dscd.msk.f32 $0xffff, v1, v1  }
0xd8: {  	v8 =	vld [tilespmem:s17+$0x8280];
	s18 =	sadd.s32 $0x80, s18;
	v1, _, _ =	vpop (xrf1);
	(xrf1) =	vsort.dscd.msk.f32 $0xffff, v2, v2  }
0xd9: {  	v9 =	vld [tilespmem:s17+$0x8300];
	s18 =	sor.u32 $0x380, s18;
	v2, _, _ =	vpop (xrf1)  }
0xda: {  	v10 =	vld [tilespmem:s18+$0x8000];
	(xrf1) =	vsort.dscd.msk.f32 $0xffff, v3, v3;
	v3, _, _ =	vpop (xrf1)  }
0xdb: {  	v11 =	vld [tilespmem:s17+$0xC000];
	(xrf1) =	vsort.dscd.msk.f32 $0xffff, v4, v4;
	v4, _, _ =	vpop (xrf1)  }
0xdc: {  	v12 =	vld [tilespmem:s17+$0xC080];
	(xrf1) =	vsort.dscd.msk.f32 $0xffff, v0, v0;
	v0, _, _ =	vpop (xrf1)  }
0xdd: {  	v13 =	vld [tilespmem:s17+$0xC100];
	(xrf1) =	vsort.dscd.msk.f32 $0xffff, v8, v8;
	v8, _, _ =	vpop (xrf1)  }
0xde: {  	v14 =	vld [tilespmem:s17+$0xC180];
	(xrf1) =	vsort.dscd.msk.f32 $0xffff, v9, v9;
	v9, _, _ =	vpop (xrf1)  }
0xdf: {  	v15 =	vld [tilespmem:s17+$0xC200];
	(xrf1) =	vsort.dscd.msk.f32 $0xffff, v10, v10;
	v10, _, _ =	vpop (xrf1)  }
0xe0: {  	(xrf1) =	vsort.dscd.msk.f32 $0xffff, v11, v11;
	v11, _, _ =	vpop (xrf1)  }
0xe1: {  	v59 =	vld [tilespmem:s17+$0xC280];
	(xrf1) =	vsort.dscd.msk.f32 $0xffff, v12, v12;
	v12, _, _ =	vpop (xrf1)  }
0xe2: {  	v60 =	vld [tilespmem:s17+$0xC300];
	(xrf1) =	vsort.dscd.msk.f32 $0xffff, v13, v13;
	v13, _, _ =	vpop (xrf1)  }
0xe3: {  	v61 =	vld [tilespmem:s17+$0xC380];
	(xrf1) =	vsort.dscd.msk.f32 $0xffff, v14, v14;
	v14, _, _ =	vpop (xrf1)  }
0xe4: {  	(xrf1) =	vsort.dscd.msk.f32 $0xffff, v15, v15;
	v15, _, _ =	vpop (xrf1)  }
0xe5: {  	v62, _, _ =	vpop (xrf1)  }
0xe6: {  	(xrf1) =	vsort.dscd.msk.f32 $0xffff, v59, v59;
	v5 =	vmax.f32 v5, v62;
	v63, _, _ =	vpop (xrf1)  }
0xe7: {  	(xrf1) =	vsort.dscd.msk.f32 $0xffff, v60, v60;
	v6 =	vmax.f32 v6, v63  }
0xe8: {  	(xrf1) =	vsort.dscd.msk.f32 $0xffff, v61, v61  }
0xe9: {  	(xrf1) =	vsort.ascd.msk.f32 $0xffff, v5, v5;
	v5, _, _ =	vpop (xrf1)  }
0xea: {  	(xrf1) =	vsort.ascd.msk.f32 $0xffff, v6, v6;
	v5 =	vmax.f32 v7, v5;
	v6, _, _ =	vpop (xrf1)  }
0xeb: {  	v1 =	vmax.f32 v1, v6;
	_ =	sdelay $0x1  }
0xec: {  	(xrf1) =	vsort.ascd.msk.f32 $0xffff, v5, v5;
	v5, _, _ =	vpop (xrf1)  }
0xed: {  	(xrf1) =	vsort.ascd.msk.f32 $0xffff, v1, v1;
	v2 =	vmax.f32 v2, v5;
	v1, _, _ =	vpop (xrf1)  }
0xee: {  	v1 =	vmax.f32 v3, v1;
	_ =	sdelay $0x1  }
0xef: {  	(xrf1) =	vsort.ascd.msk.f32 $0xffff, v2, v2;
	v2, _, _ =	vpop (xrf1)  }
0xf0: {  	(xrf1) =	vsort.ascd.msk.f32 $0xffff, v1, v1;
	v1, _, _ =	vpop (xrf1)  }
0xf1: {  	v0 =	vmax.f32 v0, v1  }
0xf2: {  	v2 =	vmax.f32 v4, v2;
	v1, _, _ =	vpop (xrf1)  }
0xf3: {  	(xrf1) =	vsort.ascd.msk.f32 $0xffff, v2, v2;
	v1 =	vmax.f32 v8, v1  }
0xf4: {  	(xrf1) =	vsort.ascd.msk.f32 $0xffff, v0, v0;
	v0, _, _ =	vpop (xrf1)  }
0xf5: {  	v0 =	vmax.f32 v9, v0  }
0xf6: {  	(xrf1) =	vsort.ascd.msk.f32 $0xffff, v1, v1;
	v1, _, _ =	vpop (xrf1)  }
0xf7: {  	v1 =	vmax.f32 v10, v1  }
0xf8: {  	(xrf1) =	vsort.ascd.msk.f32 $0xffff, v0, v0;
	v0, _, _ =	vpop (xrf1)  }
0xf9: {  	v0 =	vmax.f32 v11, v0  }
0xfa: {  	(xrf1) =	vsort.ascd.msk.f32 $0xffff, v1, v1;
	v1, _, _ =	vpop (xrf1)  }
0xfb: {  	s30 =	simm.s32 $0x20;
	s17 =	simm.s32 $0x100;
	v1 =	vmax.f32 v12, v1  }
0xfc: {  	s18 =	sand.u32 $0x70, s30;
	s19 =	sand.u32 $0x3C00, s17;
	(xrf1) =	vsort.ascd.msk.f32 $0xffff, v0, v0;
	v0, _, _ =	vpop (xrf1)  }
0xfd: {  	s20 =	sor.u32 s18, s19;
	v0 =	vmax.f32 v13, v0  }
0xfe: {  	v2 =	vld [tilespmem:s20+$0x8000];
	(xrf1) =	vsort.ascd.msk.f32 $0xffff, v1, v1;
	v1, _, _ =	vpop (xrf1)  }
0xff: {  	v3 =	vld [tilespmem:s20+$0x8080];
	v1 =	vmax.f32 v14, v1  }
0x100: {  	s18 =	simm.s32 $0x2;
	v4 =	vld [tilespmem:s20+$0x8100];
	(xrf1) =	vsort.ascd.msk.f32 $0xffff, v0, v0;
	v0, _, _ =	vpop (xrf1)  }
0x101: {  	s31 =	sand.u32 $0x7, s18;
	v5 =	vld [tilespmem:s20+$0x8180];
	(xrf1) =	vsort.ascd.msk.f32 $0xffff, v1, v1;
	v6 =	vmax.f32 v15, v0;
	v0, _, _ =	vpop (xrf1)  }
0x102: {  	s19 =	sshll.u32 s31, $0x4;
	v7 =	vld [tilespmem:s20+$0x8200];
	v1, _, _ =	vpop (xrf1);
	(xrf1) =	vsort.ascd.msk.f32 $0xffff, v6, v6  }
0x103: {  	s19 =	sadd.s32 $0x100, s19;
	v8 =	vld [tilespmem:s20+$0x8280];
	(xrf1) =	vsort.dscd.msk.f32 $0xffff, v2, v2;
	v2, _, _ =	vpop (xrf1)  }
0x104: {  	s19 =	sor.u32 $0x380, s19;
	v14 =	vld [tilespmem:s20+$0x8300];
	(xrf1) =	vsort.dscd.msk.f32 $0xffff, v3, v3;
	v3, _, _ =	vpop (xrf1)  }
0x105: {  	v9 =	vld [tilespmem:s19+$0x8000];
	(xrf1) =	vsort.dscd.msk.f32 $0xffff, v4, v4;
	v4, _, _ =	vpop (xrf1)  }
0x106: {  	v10 =	vld [tilespmem:s20+$0xC000];
	(xrf1) =	vsort.dscd.msk.f32 $0xffff, v5, v5;
	v5, _, _ =	vpop (xrf1)  }
0x107: {  	v11 =	vld [tilespmem:s20+$0xC080];
	(xrf1) =	vsort.dscd.msk.f32 $0xffff, v7, v7;
	v6, _, _ =	vpop (xrf1)  }
0x108: {  	v12 =	vld [tilespmem:s20+$0xC100];
	(xrf1) =	vsort.dscd.msk.f32 $0xffff, v8, v8;
	v7, _, _ =	vpop (xrf1)  }
0x109: {  	s19 =	simm.s32 $0x30;
	v13 =	vld [tilespmem:s20+$0xC180];
	(xrf1) =	vsort.dscd.msk.f32 $0xffff, v14, v14;
	v8, _, _ =	vpop (xrf1)  }
.LBB2_5:
0x10a: {  	p0 =	sne.s32 s19, $0x7F0;
	v14 =	vld [tilespmem:s20+$0xC200];
	(xrf1) =	vsort.dscd.msk.f32 $0xffff, v9, v9;
	v9, _, _ =	vpop (xrf1)  }
0x10b: {  	v15 =	vld [tilespmem:s20+$0xC280];
	(xrf1) =	vsort.dscd.msk.f32 $0xffff, v10, v10;
	v10, _, _ =	vpop (xrf1)  }
0x10c: {  	v16 =	vld [tilespmem:s20+$0xC300];
	(xrf1) =	vsort.dscd.msk.f32 $0xffff, v11, v11;
	v11, _, _ =	vpop (xrf1)  }
0x10d: {  	v17 =	vld [tilespmem:s20+$0xC380];
	(xrf1) =	vsort.dscd.msk.f32 $0xffff, v12, v12;
	v12, _, _ =	vpop (xrf1)  }
0x10e: {  	(xrf1) =	vsort.dscd.msk.f32 $0xffff, v13, v13;
	v13, _, _ =	vpop (xrf1)  }
0x10f: {  	(xrf1) =	vsort.dscd.msk.f32 $0xffff, v14, v14;
	v14, _, _ =	vpop (xrf1)  }
0x110: {  	(xrf1) =	vsort.dscd.msk.f32 $0xffff, v15, v15;
	v15, _, _ =	vpop (xrf1)  }
0x111: {  	v18, _, _ =	vpop (xrf1);
	(xrf1) =	vsort.dscd.msk.f32 $0xffff, v16, v16  }
0x112: {  	v18 =	vmax.f32 v0, v18;
	v16, _, _ =	vpop (xrf1);
	(xrf1) =	vsort.dscd.msk.f32 $0xffff, v17, v17  }
0x113: {  	v16 =	vmax.f32 v1, v16;
	(xrf1) =	vsort.ascd.msk.f32 $0xffff, v18, v18;
	v0, _, _ =	vpop (xrf1)  }
0x114: {  	v2 =	vmax.f32 v2, v0;
	(xrf1) =	vsort.ascd.msk.f32 $0xffff, v16, v16;
	v1, _, _ =	vpop (xrf1)  }
0x115: {  	v3 =	vmax.f32 v3, v1;
	(xrf1) =	vsort.ascd.msk.f32 $0xffff, v2, v2;
	v0, _, _ =	vpop (xrf1)  }
0x116: {  	v2 =	vmax.f32 v4, v0;
	(xrf1) =	vsort.ascd.msk.f32 $0xffff, v3, v3;
	v1, _, _ =	vpop (xrf1)  }
0x117: {  	v3 =	vmax.f32 v5, v1;
	(xrf1) =	vsort.ascd.msk.f32 $0xffff, v2, v2;
	v0, _, _ =	vpop (xrf1)  }
0x118: {  	v2 =	vmax.f32 v6, v0;
	(xrf1) =	vsort.ascd.msk.f32 $0xffff, v3, v3;
	v1, _, _ =	vpop (xrf1)  }
0x119: {  	v3 =	vmax.f32 v7, v1;
	(xrf1) =	vsort.ascd.msk.f32 $0xffff, v2, v2;
	v0, _, _ =	vpop (xrf1)  }
0x11a: {  	v2 =	vmax.f32 v8, v0;
	(xrf1) =	vsort.ascd.msk.f32 $0xffff, v3, v3;
	v1, _, _ =	vpop (xrf1)  }
0x11b: {  	s17 =	sadd.s32 $0x80, s17;
	v3 =	vmax.f32 v9, v1;
	(xrf1) =	vsort.ascd.msk.f32 $0xffff, v2, v2;
	v0, _, _ =	vpop (xrf1)  }
0x11c: {  	s21 =	sand.u32 $0x3C00, s17;
	s20 =	sand.u32 $0x70, s19;
	v2 =	vmax.f32 v10, v0;
	(xrf1) =	vsort.ascd.msk.f32 $0xffff, v3, v3;
	v1, _, _ =	vpop (xrf1)  }
0x11d: {  	s20 =	sor.u32 s20, s21;
	v3 =	vmax.f32 v11, v1;
	(xrf1) =	vsort.ascd.msk.f32 $0xffff, v2, v2;
	v0, _, _ =	vpop (xrf1)  }
0x11e: {  	v2 =	vld [tilespmem:s20+$0x8000];
	v4 =	vmax.f32 v12, v0;
	(xrf1) =	vsort.ascd.msk.f32 $0xffff, v3, v3;
	v1, _, _ =	vpop (xrf1)  }
0x11f: {  	v3 =	vld [tilespmem:s20+$0x8080];
	v1 =	vmax.f32 v13, v1;
	(xrf1) =	vsort.ascd.msk.f32 $0xffff, v4, v4;
	v0, _, _ =	vpop (xrf1)  }
0x120: {  	s18 =	sadd.s32 $0x1, s18;
	v4 =	vld [tilespmem:s20+$0x8100];
	v5 =	vmax.f32 v14, v0;
	(xrf1) =	vsort.ascd.msk.f32 $0xffff, v1, v1;
	v0, _, _ =	vpop (xrf1)  }
0x121: {  	s21 =	sand.u32 $0x7, s18;
	v6 =	vld [tilespmem:s20+$0x8180];
	v7 =	vmax.f32 v15, v0;
	v0, _, _ =	vpop (xrf1);
	(xrf1) =	vsort.ascd.msk.f32 $0xffff, v5, v5  }
0x122: {  	s21 =	sshll.u32 s21, $0x4;
	v8 =	vld [tilespmem:s20+$0x8200];
	v1, _, _ =	vpop (xrf1);
	(xrf1) =	vsort.ascd.msk.f32 $0xffff, v7, v7  }
0x123: {  	s21 =	sadd.s32 s21, s17;
	v7 =	vld [tilespmem:s20+$0x8280];
	(xrf1) =	vsort.dscd.msk.f32 $0xffff, v2, v2;
	v2, _, _ =	vpop (xrf1)  }
0x124: {  	s21 =	sor.u32 $0x380, s21;
	v14 =	vld [tilespmem:s20+$0x8300];
	(xrf1) =	vsort.dscd.msk.f32 $0xffff, v3, v3;
	v3, _, _ =	vpop (xrf1)  }
.Ltmp1:
0x125: {  	v9 =	vld [tilespmem:s21+$0x8000];
	(xrf1) =	vsort.dscd.msk.f32 $0xffff, v4, v4;
	v4, _, _ =	vpop (xrf1);
	(pc) =	sbr.rel @p0 .LBB2_5-.Ltmp1, $4  }
0x126: {  	v10 =	vld [tilespmem:s20+$0xC000];
	(xrf1) =	vsort.dscd.msk.f32 $0xffff, v6, v6;
	v5, _, _ =	vpop (xrf1)  }
0x127: {  	v11 =	vld [tilespmem:s20+$0xC080];
	(xrf1) =	vsort.dscd.msk.f32 $0xffff, v8, v8;
	v6, _, _ =	vpop (xrf1)  }
0x128: {  	v12 =	vld [tilespmem:s20+$0xC100];
	(xrf1) =	vsort.dscd.msk.f32 $0xffff, v7, v7;
	v7, _, _ =	vpop (xrf1)  }
0x129: {  	s19 =	sadd.s32 $0x10, s19;
	v13 =	vld [tilespmem:s20+$0xC180];
	(xrf1) =	vsort.dscd.msk.f32 $0xffff, v14, v14;
	v8, _, _ =	vpop (xrf1)  }
0x12a: {  	v14 =	vld [tilespmem:s20+$0xC200];
	(xrf1) =	vsort.dscd.msk.f32 $0xffff, v9, v9;
	v53, _, _ =	vpop (xrf1)  }
0x12b: {  	v15 =	vld [tilespmem:s20+$0xC280];
	(xrf1) =	vsort.dscd.msk.f32 $0xffff, v10, v10;
	v54, _, _ =	vpop (xrf1)  }
0x12c: {  	v16 =	vld [tilespmem:s20+$0xC300];
	(xrf1) =	vsort.dscd.msk.f32 $0xffff, v11, v11;
	v55, _, _ =	vpop (xrf1)  }
0x12d: {  	v17 =	vld [tilespmem:s20+$0xC380];
	(xrf1) =	vsort.dscd.msk.f32 $0xffff, v12, v12;
	v56, _, _ =	vpop (xrf1)  }
0x12e: {  	(xrf1) =	vsort.dscd.msk.f32 $0xffff, v13, v13;
	v57, _, _ =	vpop (xrf1)  }
0x12f: {  	(xrf1) =	vsort.dscd.msk.f32 $0xffff, v14, v14;
	v58, _, _ =	vpop (xrf1)  }
0x130: {  	(xrf1) =	vsort.dscd.msk.f32 $0xffff, v15, v15;
	v59, _, _ =	vpop (xrf1)  }
0x131: {  	v18, _, _ =	vpop (xrf1);
	(xrf1) =	vsort.dscd.msk.f32 $0xffff, v16, v16  }
0x132: {  	v0 =	vmax.f32 v0, v18;
	v60, _, _ =	vpop (xrf1);
	(xrf1) =	vsort.dscd.msk.f32 $0xffff, v17, v17  }
0x133: {  	v1 =	vmax.f32 v1, v60;
	(xrf1) =	vsort.ascd.msk.f32 $0xffff, v0, v0;
	v61, _, _ =	vpop (xrf1)  }
0x134: {  	v0 =	vmax.f32 v2, v61;
	(xrf1) =	vsort.ascd.msk.f32 $0xffff, v1, v1;
	v62, _, _ =	vpop (xrf1)  }
0x135: {  	v1 =	vmax.f32 v3, v62;
	(xrf1) =	vsort.ascd.msk.f32 $0xffff, v0, v0;
	v63, _, _ =	vpop (xrf1)  }
0x136: {  	v0 =	vmax.f32 v4, v63;
	(xrf1) =	vsort.ascd.msk.f32 $0xffff, v1, v1;
	v4, _, _ =	vpop (xrf1)  }
0x137: {  	v1 =	vmax.f32 v5, v4;
	(xrf1) =	vsort.ascd.msk.f32 $0xffff, v0, v0;
	v5, _, _ =	vpop (xrf1)  }
0x138: {  	v0 =	vmax.f32 v6, v5;
	(xrf1) =	vsort.ascd.msk.f32 $0xffff, v1, v1;
	v6, _, _ =	vpop (xrf1)  }
0x139: {  	v1 =	vmax.f32 v7, v6;
	(xrf1) =	vsort.ascd.msk.f32 $0xffff, v0, v0;
	v7, _, _ =	vpop (xrf1)  }
0x13a: {  	v0 =	vmax.f32 v8, v7;
	(xrf1) =	vsort.ascd.msk.f32 $0xffff, v1, v1;
	v8, _, _ =	vpop (xrf1)  }
0x13b: {  	v1 =	vmax.f32 v53, v8;
	(xrf1) =	vsort.ascd.msk.f32 $0xffff, v0, v0;
	v9, _, _ =	vpop (xrf1)  }
0x13c: {  	v0 =	vmax.f32 v54, v9;
	(xrf1) =	vsort.ascd.msk.f32 $0xffff, v1, v1;
	v16, _, _ =	vpop (xrf1)  }
0x13d: {  	v1 =	vmax.f32 v55, v16;
	(xrf1) =	vsort.ascd.msk.f32 $0xffff, v0, v0;
	v17, _, _ =	vpop (xrf1)  }
0x13e: {  	(xrf1) =	vsort.ascd.msk.f32 $0xffff, v1, v1;
	v18, _, _ =	vpop (xrf1)  }
0x13f: {  	v0 =	vmax.f32 v56, v17;
	v19, _, _ =	vpop (xrf1)  }
0x140: {  	(xrf1) =	vsort.ascd.msk.f32 $0xffff, v0, v0;
	v20, _, _ =	vpop (xrf1)  }
0x141: {  	v1 =	vmax.f32 v57, v18;
	v21, _, _ =	vpop (xrf1)  }
0x142: {  	(xrf1) =	vsort.ascd.msk.f32 $0xffff, v1, v1;
	v22, _, _ =	vpop (xrf1)  }
0x143: {  	v0 =	vmax.f32 v58, v19;
	(xrf2) =	vadd.scan.msk.f32 $0xffff, v21;
	v23, _, _ =	vpop (xrf1)  }
0x144: {  	(xrf1) =	vsort.ascd.msk.f32 $0xffff, v0, v0;
	v24, _, _ =	vpop (xrf1)  }
0x145: {  	v1 =	vmax.f32 v59, v20;
	(xrf2) =	vadd.scan.msk.f32 $0xffff, v22;
	v25, _, _ =	vpop (xrf1)  }
0x146: {  	(xrf1) =	vsort.ascd.msk.f32 $0xffff, v1, v1;
	v26, _, _ =	vpop (xrf1)  }
0x147: {  	(xrf2) =	vadd.scan.msk.f32 $0xffff, v23;
	v27, _, _ =	vpop (xrf1)  }
0x148: {  	v28, _, _ =	vpop (xrf1)  }
0x149: {  	(xrf2) =	vadd.scan.msk.f32 $0xffff, v24;
	v29, _, _ =	vpop (xrf1)  }
0x14a: {  	v30, _, _ =	vpop (xrf1)  }
0x14b: {  	(xrf2) =	vadd.scan.msk.f32 $0xffff, v25;
	v31, _, _ =	vpop (xrf1)  }
0x14c: {  	(xrf2) =	vadd.scan.msk.f32 $0xffff, v26;
	v32, _, _ =	vpop (xrf1)  }
0x14d: {  	(xrf2) =	vadd.scan.msk.f32 $0xffff, v27;
	v37, _, _ =	vpop (xrf2)  }
0x14e: {  	(xrf2) =	vadd.scan.msk.f32 $0xffff, v28;
	v33, _, _ =	vpop (xrf1)  }
0x14f: {  	(xrf2) =	vadd.scan.msk.f32 $0xffff, v29;
	v38, _, _ =	vpop (xrf2)  }
0x150: {  	(xrf2) =	vadd.scan.msk.f32 $0xffff, v30;
	v34, _, _ =	vpop (xrf1)  }
0x151: {  	(xrf2) =	vadd.scan.msk.f32 $0xffff, v31;
	v39, _, _ =	vpop (xrf2)  }
0x152: {  	v1 =	vmul.f32 $6.250000000e-02, v37;
	(xrf2) =	vadd.scan.msk.f32 $0xffff, v32;
	v35, _, _ =	vpop (xrf1)  }
0x153: {  	v3 =	vmul.f32 $6.250000000e-02, v38;
	(xrf2) =	vadd.scan.msk.f32 $0xffff, v33;
	v41, _, _ =	vpop (xrf2)  }
0x154: {  	[tilespmem:s16+$0x10000] =	vst.msk vm0, v1;
	v40 =	vmul.f32 $6.250000000e-02, v39;
	(xrf2) =	vadd.scan.msk.f32 $0xffff, v34;
	v36, _, _ =	vpop (xrf1)  }
0x155: {  	[tilespmem:s15+$0x10011] =	vst.msk vm0, v3;
	v42 =	vmul.f32 $6.250000000e-02, v41;
	v43, _, _ =	vpop (xrf2);
	(xrf2) =	vadd.scan.msk.f32 $0xffff, v35  }
0x156: {  	[tilespmem:s15+$0x10012] =	vst.msk vm0, v40;
	v44 =	vmul.f32 $6.250000000e-02, v43;
	v45, _, _ =	vpop (xrf2);
	(xrf2) =	vadd.scan.msk.f32 $0xffff, v36  }
0x157: {  	v46, _, _ =	vpop (xrf2);
	[tilespmem:s15+$0x10013] =	vst.msk vm0, v42;
	v2 =	vmul.f32 $6.250000000e-02, v45  }
0x158: {  	v47, _, _ =	vpop (xrf2);
	[tilespmem:s15+$0x10014] =	vst.msk vm0, v44;
	v0 =	vmul.f32 $6.250000000e-02, v46  }
0x159: {  	v48, _, _ =	vpop (xrf2);
	[tilespmem:s15+$0x10015] =	vst.msk vm0, v2;
	v49 =	vmul.f32 $6.250000000e-02, v47  }
0x15a: {  	v50, _, _ =	vpop (xrf2);
	[tilespmem:s15+$0x10016] =	vst.msk vm0, v0;
	v51 =	vmul.f32 $6.250000000e-02, v48  }
0x15b: {  	v52, _, _ =	vpop (xrf2);
	[tilespmem:s15+$0x10017] =	vst.msk vm0, v49;
	v53 =	vmul.f32 $6.250000000e-02, v50  }
0x15c: {  	v54, _, _ =	vpop (xrf2);
	[tilespmem:s15+$0x10018] =	vst.msk vm0, v51;
	v55 =	vmul.f32 $6.250000000e-02, v52  }
0x15d: {  	s14 =	sadd.s32 $0x1, s14;
	v56, _, _ =	vpop (xrf2);
	[tilespmem:s15+$0x10019] =	vst.msk vm0, v53;
	v57 =	vmul.f32 $6.250000000e-02, v54  }
0x15e: {  	p0 =	sne.s32 s14, $0x20;
	v58, _, _ =	vpop (xrf2);
	[tilespmem:s15+$0x1001A] =	vst.msk vm0, v55;
	v59 =	vmul.f32 $6.250000000e-02, v56  }
.Ltmp2:
0x15f: {  	v60, _, _ =	vpop (xrf2);
	[tilespmem:s15+$0x1001B] =	vst.msk vm0, v57;
	v61 =	vmul.f32 $6.250000000e-02, v58;
	(pc) =	sbr.rel @p0 .LBB2_2-.Ltmp2, $4  }
0x160: {  	[tilespmem:s15+$0x1001C] =	vst.msk vm0, v59;
	v62 =	vmul.f32 $6.250000000e-02, v60;
	v63, _, _ =	vpop (xrf2)  }
0x161: {  	[tilespmem:s15+$0x1001D] =	vst.msk vm0, v61;
	v1 =	vmul.f32 $6.250000000e-02, v63  }
0x162: {  	[tilespmem:s15+$0x1001E] =	vst.msk vm0, v62  }
0x163: {  	[tilespmem:s15+$0x1001F] =	vst.msk vm0, v1  }
0x164: {  	s13 =	sadd.s32 $0x1, s13  }
0x165: {  	p0 =	sne.s32 s13, s8  }
.Ltmp3:
0x166: {  	_ = 	snop;
	(pc) =	sbr.rel @p0 .LBB2_1-.Ltmp3, $4  }
0x167: {  	[hbm4b:s7+s3] =	stream.linear.scatter [tilespmem:s11], [sflag:$0x3], $0x400, $0x38;
	[tilespmem:$0x10480] =	vst v63  }
0x168: {  	_ =	swait.ge [sflag:s12], $0x400  }
0x169: {  	[sflag:s12] =	ssyncset.done $0x0  }
0x16a: {  	[sflag:s12] =	ssyncadd.s32 $0xFFFFFC00  }
0x16b: {  	_ =	sfence.sel $0x180000  }
0x16c: {  	[bflag:$0x0] =	sbarrier.arrive $0xFFFF  }
0x16d: {  	p0 =	sne.s32 s1, $0x0;
	_ =	strace $0x90000047  }
0x16e: {  	s0 =	sadd.s32 @!p0 $0x100000, s0;
	[bflag:$0x2] =	sbarrier.arrive $0xFFFF  }
0x16f: {  	[sflag:s0] =	ssyncadd.tile.s32 @!p0 $0x1;
	_ =	shalt  }
.Lfunc_end2:
_tile_overlayer_lowered:
.L_overlay_start_2:
0x170: {  	(tag) =	ssettag $0x2  }
0x171: {  	s0 =	rddreg [dreg:$0x0];
	s2 =	stileid.u32  }
0x172: {  	s1 =	rddreg [dreg:$0x1];
	p0 =	sne.s32 s2, $0x0  }
0x173: {  	s3 =	rddreg [dreg:$0x2];
	[bflag:$0x3] =	sbarrier.arrive $0xFFFF;
	s2 =	simm.s32 @!p0 $0x1C03  }
0x174: {  	[timem:s3], [sflag:s2] =	dma.local @!p0 [hbm:s0], s1  }
0x175: {  	s0 =	simm.s32 @!p0 $0x3  }
0x176: {  	_ =	swait.ge @!p0 [sflag:s0], s1  }
0x177: {  	s1 =	ssub.s32 @!p0 $0x0, s1;
	[sflag:s0] =	ssyncset.done @!p0 $0x0  }
0x178: {  	[sflag:s0] =	ssyncadd.s32 @!p0 s1  }
0x179: {  	[bflag:$0x3] =	sbarrier.arrive $0xFFFF  }
0x17a: {  	_ =	shalt  }

</sc_bundles>
